<compile_context>
chip_gen: v7x
topology: tpu7x:2x2x1
jax: 0.10.2.dev20260603
libtpu: 0.0.44.dev20260713+nightly
codegen_flags: <defaults>
</compile_context>

<pallas_src>
import functools

import jax
import jax.numpy as jnp
from jax import lax
from jax.experimental import pallas as pl
from jax.experimental.pallas import tpu as pltpu
from jax.experimental.pallas import tpu_sc as plsc

_B, _C, _HW = 32, 384, 1024
_CHW = _C * _HW
_CPC = 48
_CH = _CPC * _HW
_N = _C // _CPC
_K = 2


def _sc_body(x_hbm, mid_hbm, out_hbm, sp, mask_v, idx_v, zeros_v,
             is0, is1, os0, os1):
    isems = (is0, is1)
    osems = (os0, os1)

    cid = lax.axis_index("c")
    sid = lax.axis_index("s")
    wid = sid * 2 + cid

    pltpu.sync_copy(mid_hbm, mask_v)
    wid_vec = jnp.zeros((16,), jnp.int32) + wid
    mid_vec = plsc.load_gather(mask_v, [wid_vec])

    for i in range(8):
        zeros_v[pl.ds(i * 16, 16)] = jnp.zeros((16,), jnp.float32)

    lane = lax.iota(jnp.int32, 16)
    base = wid * _CHW
    for v in range(24):
        vec = lane * _HW + mid_vec + (v * 16 * _HW + base)
        idx_v[v // 8, pl.ds((v % 8) * 16, 16)] = vec

    def in_copy(k):
        return pltpu.make_async_copy(
            x_hbm.at[pl.ds(base + k * _CH, _CH)],
            sp.at[sid, k % _K], isems[k % _K])

    def out_copy(k):
        return pltpu.make_async_copy(
            sp.at[sid, k % _K],
            out_hbm.at[pl.ds(base + k * _CH, _CH)], osems[k % _K])

    in_copy(0).start()
    in_copy(1).start()
    for k in range(_N):
        in_copy(k).wait()
        out_copy(k).start()
        if k + _K < _N:
            out_copy(k).wait()
            in_copy(k + _K).start()
    for k in range(_N - _K, _N):
        out_copy(k).wait()

    for v in range(3):
        pltpu.sync_copy(zeros_v, out_hbm.at[idx_v.at[v]])


def kernel(fea, mask_id):
    b, c, h, w = fea.shape
    x = fea.reshape(b * c * h * w)
    mesh = plsc.VectorSubcoreMesh(core_axis_name="c", subcore_axis_name="s")
    run = functools.partial(
        pl.kernel,
        mesh=mesh,
        compiler_params=pltpu.CompilerParams(needs_layout_passes=False),
        out_type=jax.ShapeDtypeStruct((b * c * h * w,), jnp.float32),
        scratch_types=(
            [pltpu.VMEM_SHARED((16, _K, _CH), jnp.float32)]
            + [pltpu.VMEM((_B,), jnp.int32)]
            + [pltpu.VMEM((3, 128), jnp.int32)]
            + [pltpu.VMEM((128,), jnp.float32)]
            + [pltpu.SemaphoreType.DMA for _ in range(4)]
        ),
    )(_sc_body)
    out = run(x, mask_id)
    return out.reshape(b, c, h, w)

# --- scband reference (transcript-rebuilt; emitter-appended) ---
"""Pipeline reference for scband-feature-attack-generator-111669150098 (READ-ONLY COPY).

The authoritative reference and input builder live on the scoring server;
editing this copy changes nothing except your own understanding.
"""

import jax, jax.numpy as jnp
import numpy as np

B, C, H, W = 32, 384, 32, 32

def setup_inputs(seed: int = 0) -> dict:
    key = jax.random.key(seed)
    k1, k2 = jax.random.split(key)
    fea = jax.random.normal(k1, (B, C, H, W), dtype=jnp.float32)
    # The torch module draws mask_id = np.random.randint(0, H*W, B) inside forward.
    # We materialize it deterministically here as a closed-over int constant.
    mask_id = jax.random.randint(k2, (B,), 0, H * W, dtype=jnp.int32)
    return {"fea": fea, "mask_id": mask_id}

def reference(fea, mask_id):
    b, c, h, w = fea.shape
    row = mask_id // w
    col = mask_id % w
    attack_mask = jnp.ones((b, c, h, w), dtype=bool)
    # scatter-overwrite: zero out one spatial location (all channels) per image
    attack_mask = attack_mask.at[jnp.arange(b), :, row, col].set(False)
    out = fea * attack_mask
    return out

if __name__ == "__main__":
    import jax
    _d = setup_inputs()
    print(jax.jit(kernel)(*tuple(_d.values())))

</pallas_src>

<mosaic_0001>
#map = affine_map<(d0, d1) -> (0)>
module attributes {stable_mosaic.version = 14 : i64} {
  func.func @_sc_body(%arg0: i32, %arg1: i32, %arg2: memref<12582912xf32, #tpu.memory_space<hbm>>, %arg3: memref<32xi32, #tpu.memory_space<hbm>>, %arg4: memref<12582912xf32, #tpu.memory_space<hbm>>, %arg5: memref<16x2x49152xf32, #tpu.memory_space<vmem_shared>>, %arg6: memref<32xi32, #tpu.memory_space<vmem>>, %arg7: memref<3x128xi32, #tpu.memory_space<vmem>>, %arg8: memref<128xf32, #tpu.memory_space<vmem>>, %arg9: memref<!tpu.dma_semaphore, #tpu.memory_space<semaphore_mem>>, %arg10: memref<!tpu.dma_semaphore, #tpu.memory_space<semaphore_mem>>, %arg11: memref<!tpu.dma_semaphore, #tpu.memory_space<semaphore_mem>>, %arg12: memref<!tpu.dma_semaphore, #tpu.memory_space<semaphore_mem>>) attributes {dimension_semantics = [#tpu.dimension_semantics<core_parallel>, #tpu.dimension_semantics<subcore_parallel>], iteration_bounds = array<i64: 2, 16>, scalar_prefetch = 0 : i64, scratch_operands = 8 : i64, tpu.core_type = #tpu.core_type<sc_vector_subcore>, window_params = [{transform_indices = #map}, {transform_indices = #map}, {transform_indices = #map}]} {
    %mul3A = arith.constant 2 : i32
    %mul3A_0 = arith.muli %arg1, %mul3A : i32
    %add3A = arith.addi %mul3A_0, %arg0 : i32
    "tpu.region"() ({
      %run_scoped3A_549 = tpu.sem_alloc : memref<!tpu.dma_semaphore, #tpu.memory_space<semaphore_mem>>
      tpu.enqueue_dma source(%arg3 : memref<32xi32, #tpu.memory_space<hbm>>) target(%arg6 : memref<32xi32, #tpu.memory_space<vmem>>) target_semaphore(%run_scoped3A_549 : memref<!tpu.dma_semaphore, #tpu.memory_space<semaphore_mem>>)
      tpu.wait_dma2 semaphore(%run_scoped3A_549 : memref<!tpu.dma_semaphore, #tpu.memory_space<semaphore_mem>>) src(%arg3 : memref<32xi32, #tpu.memory_space<hbm>>) dst(%arg6 : memref<32xi32, #tpu.memory_space<vmem>>)
      tpu.yield
    }) : () -> ()
    %broadcast_in_dim3A = arith.constant 0 : i32
    %broadcast_in_dim3A_1 = vector.broadcast %broadcast_in_dim3A : i32 to vector<16xi32>
    %add3A_2 = vector.broadcast %add3A : i32 to vector<16xi32>
    %add3A_3 = arith.addi %broadcast_in_dim3A_1, %add3A_2 : vector<16xi32>
    %gather3A = tpu.vector_load_idx %arg6[%add3A_3] : memref<32xi32, #tpu.memory_space<vmem>>[vector<16xi32>], vector<16xi32>,
    %broadcast_in_dim3A_4 = arith.constant 0.000000e+00 : f32
    %broadcast_in_dim3A_5 = vector.broadcast %broadcast_in_dim3A_4 : f32 to vector<16xf32>
    %swap3A = arith.constant 0 : index
    %swap3A_6 = tpu.vector_load %arg8[%swap3A] {strides = array<i32>} : memref<128xf32, #tpu.memory_space<vmem>>, vector<16xf32>,
    tpu.vector_store %arg8[%swap3A], %broadcast_in_dim3A_5 {strides = array<i32>} : memref<128xf32, #tpu.memory_space<vmem>>, vector<16xf32>,
    %broadcast_in_dim3A_7 = arith.constant 0.000000e+00 : f32
    %broadcast_in_dim3A_8 = vector.broadcast %broadcast_in_dim3A_7 : f32 to vector<16xf32>
    %swap3A_9 = arith.constant 16 : index
    %swap3A_10 = tpu.vector_load %arg8[%swap3A_9] {strides = array<i32>} : memref<128xf32, #tpu.memory_space<vmem>>, vector<16xf32>,
    tpu.vector_store %arg8[%swap3A_9], %broadcast_in_dim3A_8 {strides = array<i32>} : memref<128xf32, #tpu.memory_space<vmem>>, vector<16xf32>,
    %broadcast_in_dim3A_11 = arith.constant 0.000000e+00 : f32
    %broadcast_in_dim3A_12 = vector.broadcast %broadcast_in_dim3A_11 : f32 to vector<16xf32>
    %swap3A_13 = arith.constant 32 : index
    %swap3A_14 = tpu.vector_load %arg8[%swap3A_13] {strides = array<i32>} : memref<128xf32, #tpu.memory_space<vmem>>, vector<16xf32>,
    tpu.vector_store %arg8[%swap3A_13], %broadcast_in_dim3A_12 {strides = array<i32>} : memref<128xf32, #tpu.memory_space<vmem>>, vector<16xf32>,
    %broadcast_in_dim3A_15 = arith.constant 0.000000e+00 : f32
    %broadcast_in_dim3A_16 = vector.broadcast %broadcast_in_dim3A_15 : f32 to vector<16xf32>
    %swap3A_17 = arith.constant 48 : index
    %swap3A_18 = tpu.vector_load %arg8[%swap3A_17] {strides = array<i32>} : memref<128xf32, #tpu.memory_space<vmem>>, vector<16xf32>,
    tpu.vector_store %arg8[%swap3A_17], %broadcast_in_dim3A_16 {strides = array<i32>} : memref<128xf32, #tpu.memory_space<vmem>>, vector<16xf32>,
    %broadcast_in_dim3A_19 = arith.constant 0.000000e+00 : f32
    %broadcast_in_dim3A_20 = vector.broadcast %broadcast_in_dim3A_19 : f32 to vector<16xf32>
    %swap3A_21 = arith.constant 64 : index
    %swap3A_22 = tpu.vector_load %arg8[%swap3A_21] {strides = array<i32>} : memref<128xf32, #tpu.memory_space<vmem>>, vector<16xf32>,
    tpu.vector_store %arg8[%swap3A_21], %broadcast_in_dim3A_20 {strides = array<i32>} : memref<128xf32, #tpu.memory_space<vmem>>, vector<16xf32>,
    %broadcast_in_dim3A_23 = arith.constant 0.000000e+00 : f32
    %broadcast_in_dim3A_24 = vector.broadcast %broadcast_in_dim3A_23 : f32 to vector<16xf32>
    %swap3A_25 = arith.constant 80 : index
    %swap3A_26 = tpu.vector_load %arg8[%swap3A_25] {strides = array<i32>} : memref<128xf32, #tpu.memory_space<vmem>>, vector<16xf32>,
    tpu.vector_store %arg8[%swap3A_25], %broadcast_in_dim3A_24 {strides = array<i32>} : memref<128xf32, #tpu.memory_space<vmem>>, vector<16xf32>,
    %broadcast_in_dim3A_27 = arith.constant 0.000000e+00 : f32
    %broadcast_in_dim3A_28 = vector.broadcast %broadcast_in_dim3A_27 : f32 to vector<16xf32>
    %swap3A_29 = arith.constant 96 : index
    %swap3A_30 = tpu.vector_load %arg8[%swap3A_29] {strides = array<i32>} : memref<128xf32, #tpu.memory_space<vmem>>, vector<16xf32>,
    tpu.vector_store %arg8[%swap3A_29], %broadcast_in_dim3A_28 {strides = array<i32>} : memref<128xf32, #tpu.memory_space<vmem>>, vector<16xf32>,
    %broadcast_in_dim3A_31 = arith.constant 0.000000e+00 : f32
    %broadcast_in_dim3A_32 = vector.broadcast %broadcast_in_dim3A_31 : f32 to vector<16xf32>
    %swap3A_33 = arith.constant 112 : index
    %swap3A_34 = tpu.vector_load %arg8[%swap3A_33] {strides = array<i32>} : memref<128xf32, #tpu.memory_space<vmem>>, vector<16xf32>,
    tpu.vector_store %arg8[%swap3A_33], %broadcast_in_dim3A_32 {strides = array<i32>} : memref<128xf32, #tpu.memory_space<vmem>>, vector<16xf32>,
    %iota3A = tpu.iota {dimensions = array<i32: 0>} : vector<16xi32>
    %mul3A_35 = arith.constant 393216 : i32
    %mul3A_36 = arith.muli %add3A, %mul3A_35 : i32
    %mul3A_37 = arith.constant 1024 : i32
    %mul3A_38 = vector.broadcast %mul3A_37 : i32 to vector<16xi32>
    %mul3A_39 = arith.muli %iota3A, %mul3A_38 : vector<16xi32>
    %add3A_40 = arith.addi %mul3A_39, %gather3A : vector<16xi32>
    %add3A_41 = arith.constant 0 : i32
    %add3A_42 = arith.addi %add3A_41, %mul3A_36 : i32
    %add3A_43 = vector.broadcast %add3A_42 : i32 to vector<16xi32>
    %add3A_44 = arith.addi %add3A_40, %add3A_43 : vector<16xi32>
    %swap3A_45 = arith.constant 0 : i32
    %swap3A_46 = arith.index_cast %swap3A_45 : i32 to index
    %swap3A_47 = arith.constant 0 : index
    %swap3A_48 = tpu.vector_load %arg7[%swap3A_46, %swap3A_47] {strides = array<i32>} : memref<3x128xi32, #tpu.memory_space<vmem>>, vector<16xi32>,
    tpu.vector_store %arg7[%swap3A_46, %swap3A_47], %add3A_44 {strides = array<i32>} : memref<3x128xi32, #tpu.memory_space<vmem>>, vector<16xi32>,
    %mul3A_49 = arith.constant 1024 : i32
    %mul3A_50 = vector.broadcast %mul3A_49 : i32 to vector<16xi32>
    %mul3A_51 = arith.muli %iota3A, %mul3A_50 : vector<16xi32>
    %add3A_52 = arith.addi %mul3A_51, %gather3A : vector<16xi32>
    %add3A_53 = arith.constant 16384 : i32
    %add3A_54 = arith.addi %add3A_53, %mul3A_36 : i32
    %add3A_55 = vector.broadcast %add3A_54 : i32 to vector<16xi32>
    %add3A_56 = arith.addi %add3A_52, %add3A_55 : vector<16xi32>
    %swap3A_57 = arith.constant 0 : i32
    %swap3A_58 = arith.index_cast %swap3A_57 : i32 to index
    %swap3A_59 = arith.constant 16 : index
    %swap3A_60 = tpu.vector_load %arg7[%swap3A_58, %swap3A_59] {strides = array<i32>} : memref<3x128xi32, #tpu.memory_space<vmem>>, vector<16xi32>,
    tpu.vector_store %arg7[%swap3A_58, %swap3A_59], %add3A_56 {strides = array<i32>} : memref<3x128xi32, #tpu.memory_space<vmem>>, vector<16xi32>,
    %mul3A_61 = arith.constant 1024 : i32
    %mul3A_62 = vector.broadcast %mul3A_61 : i32 to vector<16xi32>
    %mul3A_63 = arith.muli %iota3A, %mul3A_62 : vector<16xi32>
    %add3A_64 = arith.addi %mul3A_63, %gather3A : vector<16xi32>
    %add3A_65 = arith.constant 32768 : i32
    %add3A_66 = arith.addi %add3A_65, %mul3A_36 : i32
    %add3A_67 = vector.broadcast %add3A_66 : i32 to vector<16xi32>
    %add3A_68 = arith.addi %add3A_64, %add3A_67 : vector<16xi32>
    %swap3A_69 = arith.constant 0 : i32
    %swap3A_70 = arith.index_cast %swap3A_69 : i32 to index
    %swap3A_71 = arith.constant 32 : index
    %swap3A_72 = tpu.vector_load %arg7[%swap3A_70, %swap3A_71] {strides = array<i32>} : memref<3x128xi32, #tpu.memory_space<vmem>>, vector<16xi32>,
    tpu.vector_store %arg7[%swap3A_70, %swap3A_71], %add3A_68 {strides = array<i32>} : memref<3x128xi32, #tpu.memory_space<vmem>>, vector<16xi32>,
    %mul3A_73 = arith.constant 1024 : i32
    %mul3A_74 = vector.broadcast %mul3A_73 : i32 to vector<16xi32>
    %mul3A_75 = arith.muli %iota3A, %mul3A_74 : vector<16xi32>
    %add3A_76 = arith.addi %mul3A_75, %gather3A : vector<16xi32>
    %add3A_77 = arith.constant 49152 : i32
    %add3A_78 = arith.addi %add3A_77, %mul3A_36 : i32
    %add3A_79 = vector.broadcast %add3A_78 : i32 to vector<16xi32>
    %add3A_80 = arith.addi %add3A_76, %add3A_79 : vector<16xi32>
    %swap3A_81 = arith.constant 0 : i32
    %swap3A_82 = arith.index_cast %swap3A_81 : i32 to index
    %swap3A_83 = arith.constant 48 : index
    %swap3A_84 = tpu.vector_load %arg7[%swap3A_82, %swap3A_83] {strides = array<i32>} : memref<3x128xi32, #tpu.memory_space<vmem>>, vector<16xi32>,
    tpu.vector_store %arg7[%swap3A_82, %swap3A_83], %add3A_80 {strides = array<i32>} : memref<3x128xi32, #tpu.memory_space<vmem>>, vector<16xi32>,
    %mul3A_85 = arith.constant 1024 : i32
    %mul3A_86 = vector.broadcast %mul3A_85 : i32 to vector<16xi32>
    %mul3A_87 = arith.muli %iota3A, %mul3A_86 : vector<16xi32>
    %add3A_88 = arith.addi %mul3A_87, %gather3A : vector<16xi32>
    %add3A_89 = arith.constant 65536 : i32
    %add3A_90 = arith.addi %add3A_89, %mul3A_36 : i32
    %add3A_91 = vector.broadcast %add3A_90 : i32 to vector<16xi32>
    %add3A_92 = arith.addi %add3A_88, %add3A_91 : vector<16xi32>
    %swap3A_93 = arith.constant 0 : i32
    %swap3A_94 = arith.index_cast %swap3A_93 : i32 to index
    %swap3A_95 = arith.constant 64 : index
    %swap3A_96 = tpu.vector_load %arg7[%swap3A_94, %swap3A_95] {strides = array<i32>} : memref<3x128xi32, #tpu.memory_space<vmem>>, vector<16xi32>,
    tpu.vector_store %arg7[%swap3A_94, %swap3A_95], %add3A_92 {strides = array<i32>} : memref<3x128xi32, #tpu.memory_space<vmem>>, vector<16xi32>,
    %mul3A_97 = arith.constant 1024 : i32
    %mul3A_98 = vector.broadcast %mul3A_97 : i32 to vector<16xi32>
    %mul3A_99 = arith.muli %iota3A, %mul3A_98 : vector<16xi32>
    %add3A_100 = arith.addi %mul3A_99, %gather3A : vector<16xi32>
    %add3A_101 = arith.constant 81920 : i32
    %add3A_102 = arith.addi %add3A_101, %mul3A_36 : i32
    %add3A_103 = vector.broadcast %add3A_102 : i32 to vector<16xi32>
    %add3A_104 = arith.addi %add3A_100, %add3A_103 : vector<16xi32>
    %swap3A_105 = arith.constant 0 : i32
    %swap3A_106 = arith.index_cast %swap3A_105 : i32 to index
    %swap3A_107 = arith.constant 80 : index
    %swap3A_108 = tpu.vector_load %arg7[%swap3A_106, %swap3A_107] {strides = array<i32>} : memref<3x128xi32, #tpu.memory_space<vmem>>, vector<16xi32>,
    tpu.vector_store %arg7[%swap3A_106, %swap3A_107], %add3A_104 {strides = array<i32>} : memref<3x128xi32, #tpu.memory_space<vmem>>, vector<16xi32>,
    %mul3A_109 = arith.constant 1024 : i32
    %mul3A_110 = vector.broadcast %mul3A_109 : i32 to vector<16xi32>
    %mul3A_111 = arith.muli %iota3A, %mul3A_110 : vector<16xi32>
    %add3A_112 = arith.addi %mul3A_111, %gather3A : vector<16xi32>
    %add3A_113 = arith.constant 98304 : i32
    %add3A_114 = arith.addi %add3A_113, %mul3A_36 : i32
    %add3A_115 = vector.broadcast %add3A_114 : i32 to vector<16xi32>
    %add3A_116 = arith.addi %add3A_112, %add3A_115 : vector<16xi32>
    %swap3A_117 = arith.constant 0 : i32
    %swap3A_118 = arith.index_cast %swap3A_117 : i32 to index
    %swap3A_119 = arith.constant 96 : index
    %swap3A_120 = tpu.vector_load %arg7[%swap3A_118, %swap3A_119] {strides = array<i32>} : memref<3x128xi32, #tpu.memory_space<vmem>>, vector<16xi32>,
    tpu.vector_store %arg7[%swap3A_118, %swap3A_119], %add3A_116 {strides = array<i32>} : memref<3x128xi32, #tpu.memory_space<vmem>>, vector<16xi32>,
    %mul3A_121 = arith.constant 1024 : i32
    %mul3A_122 = vector.broadcast %mul3A_121 : i32 to vector<16xi32>
    %mul3A_123 = arith.muli %iota3A, %mul3A_122 : vector<16xi32>
    %add3A_124 = arith.addi %mul3A_123, %gather3A : vector<16xi32>
    %add3A_125 = arith.constant 114688 : i32
    %add3A_126 = arith.addi %add3A_125, %mul3A_36 : i32
    %add3A_127 = vector.broadcast %add3A_126 : i32 to vector<16xi32>
    %add3A_128 = arith.addi %add3A_124, %add3A_127 : vector<16xi32>
    %swap3A_129 = arith.constant 0 : i32
    %swap3A_130 = arith.index_cast %swap3A_129 : i32 to index
    %swap3A_131 = arith.constant 112 : index
    %swap3A_132 = tpu.vector_load %arg7[%swap3A_130, %swap3A_131] {strides = array<i32>} : memref<3x128xi32, #tpu.memory_space<vmem>>, vector<16xi32>,
    tpu.vector_store %arg7[%swap3A_130, %swap3A_131], %add3A_128 {strides = array<i32>} : memref<3x128xi32, #tpu.memory_space<vmem>>, vector<16xi32>,
    %mul3A_133 = arith.constant 1024 : i32
    %mul3A_134 = vector.broadcast %mul3A_133 : i32 to vector<16xi32>
    %mul3A_135 = arith.muli %iota3A, %mul3A_134 : vector<16xi32>
    %add3A_136 = arith.addi %mul3A_135, %gather3A : vector<16xi32>
    %add3A_137 = arith.constant 131072 : i32
    %add3A_138 = arith.addi %add3A_137, %mul3A_36 : i32
    %add3A_139 = vector.broadcast %add3A_138 : i32 to vector<16xi32>
    %add3A_140 = arith.addi %add3A_136, %add3A_139 : vector<16xi32>
    %swap3A_141 = arith.constant 1 : i32
    %swap3A_142 = arith.index_cast %swap3A_141 : i32 to index
    %swap3A_143 = arith.constant 0 : index
    %swap3A_144 = tpu.vector_load %arg7[%swap3A_142, %swap3A_143] {strides = array<i32>} : memref<3x128xi32, #tpu.memory_space<vmem>>, vector<16xi32>,
    tpu.vector_store %arg7[%swap3A_142, %swap3A_143], %add3A_140 {strides = array<i32>} : memref<3x128xi32, #tpu.memory_space<vmem>>, vector<16xi32>,
    %mul3A_145 = arith.constant 1024 : i32
    %mul3A_146 = vector.broadcast %mul3A_145 : i32 to vector<16xi32>
    %mul3A_147 = arith.muli %iota3A, %mul3A_146 : vector<16xi32>
    %add3A_148 = arith.addi %mul3A_147, %gather3A : vector<16xi32>
    %add3A_149 = arith.constant 147456 : i32
    %add3A_150 = arith.addi %add3A_149, %mul3A_36 : i32
    %add3A_151 = vector.broadcast %add3A_150 : i32 to vector<16xi32>
    %add3A_152 = arith.addi %add3A_148, %add3A_151 : vector<16xi32>
    %swap3A_153 = arith.constant 1 : i32
    %swap3A_154 = arith.index_cast %swap3A_153 : i32 to index
    %swap3A_155 = arith.constant 16 : index
    %swap3A_156 = tpu.vector_load %arg7[%swap3A_154, %swap3A_155] {strides = array<i32>} : memref<3x128xi32, #tpu.memory_space<vmem>>, vector<16xi32>,
    tpu.vector_store %arg7[%swap3A_154, %swap3A_155], %add3A_152 {strides = array<i32>} : memref<3x128xi32, #tpu.memory_space<vmem>>, vector<16xi32>,
    %mul3A_157 = arith.constant 1024 : i32
    %mul3A_158 = vector.broadcast %mul3A_157 : i32 to vector<16xi32>
    %mul3A_159 = arith.muli %iota3A, %mul3A_158 : vector<16xi32>
    %add3A_160 = arith.addi %mul3A_159, %gather3A : vector<16xi32>
    %add3A_161 = arith.constant 163840 : i32
    %add3A_162 = arith.addi %add3A_161, %mul3A_36 : i32
    %add3A_163 = vector.broadcast %add3A_162 : i32 to vector<16xi32>
    %add3A_164 = arith.addi %add3A_160, %add3A_163 : vector<16xi32>
    %swap3A_165 = arith.constant 1 : i32
    %swap3A_166 = arith.index_cast %swap3A_165 : i32 to index
    %swap3A_167 = arith.constant 32 : index
    %swap3A_168 = tpu.vector_load %arg7[%swap3A_166, %swap3A_167] {strides = array<i32>} : memref<3x128xi32, #tpu.memory_space<vmem>>, vector<16xi32>,
    tpu.vector_store %arg7[%swap3A_166, %swap3A_167], %add3A_164 {strides = array<i32>} : memref<3x128xi32, #tpu.memory_space<vmem>>, vector<16xi32>,
    %mul3A_169 = arith.constant 1024 : i32
    %mul3A_170 = vector.broadcast %mul3A_169 : i32 to vector<16xi32>
    %mul3A_171 = arith.muli %iota3A, %mul3A_170 : vector<16xi32>
    %add3A_172 = arith.addi %mul3A_171, %gather3A : vector<16xi32>
    %add3A_173 = arith.constant 180224 : i32
    %add3A_174 = arith.addi %add3A_173, %mul3A_36 : i32
    %add3A_175 = vector.broadcast %add3A_174 : i32 to vector<16xi32>
    %add3A_176 = arith.addi %add3A_172, %add3A_175 : vector<16xi32>
    %swap3A_177 = arith.constant 1 : i32
    %swap3A_178 = arith.index_cast %swap3A_177 : i32 to index
    %swap3A_179 = arith.constant 48 : index
    %swap3A_180 = tpu.vector_load %arg7[%swap3A_178, %swap3A_179] {strides = array<i32>} : memref<3x128xi32, #tpu.memory_space<vmem>>, vector<16xi32>,
    tpu.vector_store %arg7[%swap3A_178, %swap3A_179], %add3A_176 {strides = array<i32>} : memref<3x128xi32, #tpu.memory_space<vmem>>, vector<16xi32>,
    %mul3A_181 = arith.constant 1024 : i32
    %mul3A_182 = vector.broadcast %mul3A_181 : i32 to vector<16xi32>
    %mul3A_183 = arith.muli %iota3A, %mul3A_182 : vector<16xi32>
    %add3A_184 = arith.addi %mul3A_183, %gather3A : vector<16xi32>
    %add3A_185 = arith.constant 196608 : i32
    %add3A_186 = arith.addi %add3A_185, %mul3A_36 : i32
    %add3A_187 = vector.broadcast %add3A_186 : i32 to vector<16xi32>
    %add3A_188 = arith.addi %add3A_184, %add3A_187 : vector<16xi32>
    %swap3A_189 = arith.constant 1 : i32
    %swap3A_190 = arith.index_cast %swap3A_189 : i32 to index
    %swap3A_191 = arith.constant 64 : index
    %swap3A_192 = tpu.vector_load %arg7[%swap3A_190, %swap3A_191] {strides = array<i32>} : memref<3x128xi32, #tpu.memory_space<vmem>>, vector<16xi32>,
    tpu.vector_store %arg7[%swap3A_190, %swap3A_191], %add3A_188 {strides = array<i32>} : memref<3x128xi32, #tpu.memory_space<vmem>>, vector<16xi32>,
    %mul3A_193 = arith.constant 1024 : i32
    %mul3A_194 = vector.broadcast %mul3A_193 : i32 to vector<16xi32>
    %mul3A_195 = arith.muli %iota3A, %mul3A_194 : vector<16xi32>
    %add3A_196 = arith.addi %mul3A_195, %gather3A : vector<16xi32>
    %add3A_197 = arith.constant 212992 : i32
    %add3A_198 = arith.addi %add3A_197, %mul3A_36 : i32
    %add3A_199 = vector.broadcast %add3A_198 : i32 to vector<16xi32>
    %add3A_200 = arith.addi %add3A_196, %add3A_199 : vector<16xi32>
    %swap3A_201 = arith.constant 1 : i32
    %swap3A_202 = arith.index_cast %swap3A_201 : i32 to index
    %swap3A_203 = arith.constant 80 : index
    %swap3A_204 = tpu.vector_load %arg7[%swap3A_202, %swap3A_203] {strides = array<i32>} : memref<3x128xi32, #tpu.memory_space<vmem>>, vector<16xi32>,
    tpu.vector_store %arg7[%swap3A_202, %swap3A_203], %add3A_200 {strides = array<i32>} : memref<3x128xi32, #tpu.memory_space<vmem>>, vector<16xi32>,
    %mul3A_205 = arith.constant 1024 : i32
    %mul3A_206 = vector.broadcast %mul3A_205 : i32 to vector<16xi32>
    %mul3A_207 = arith.muli %iota3A, %mul3A_206 : vector<16xi32>
    %add3A_208 = arith.addi %mul3A_207, %gather3A : vector<16xi32>
    %add3A_209 = arith.constant 229376 : i32
    %add3A_210 = arith.addi %add3A_209, %mul3A_36 : i32
    %add3A_211 = vector.broadcast %add3A_210 : i32 to vector<16xi32>
    %add3A_212 = arith.addi %add3A_208, %add3A_211 : vector<16xi32>
    %swap3A_213 = arith.constant 1 : i32
    %swap3A_214 = arith.index_cast %swap3A_213 : i32 to index
    %swap3A_215 = arith.constant 96 : index
    %swap3A_216 = tpu.vector_load %arg7[%swap3A_214, %swap3A_215] {strides = array<i32>} : memref<3x128xi32, #tpu.memory_space<vmem>>, vector<16xi32>,
    tpu.vector_store %arg7[%swap3A_214, %swap3A_215], %add3A_212 {strides = array<i32>} : memref<3x128xi32, #tpu.memory_space<vmem>>, vector<16xi32>,
    %mul3A_217 = arith.constant 1024 : i32
    %mul3A_218 = vector.broadcast %mul3A_217 : i32 to vector<16xi32>
    %mul3A_219 = arith.muli %iota3A, %mul3A_218 : vector<16xi32>
    %add3A_220 = arith.addi %mul3A_219, %gather3A : vector<16xi32>
    %add3A_221 = arith.constant 245760 : i32
    %add3A_222 = arith.addi %add3A_221, %mul3A_36 : i32
    %add3A_223 = vector.broadcast %add3A_222 : i32 to vector<16xi32>
    %add3A_224 = arith.addi %add3A_220, %add3A_223 : vector<16xi32>
    %swap3A_225 = arith.constant 1 : i32
    %swap3A_226 = arith.index_cast %swap3A_225 : i32 to index
    %swap3A_227 = arith.constant 112 : index
    %swap3A_228 = tpu.vector_load %arg7[%swap3A_226, %swap3A_227] {strides = array<i32>} : memref<3x128xi32, #tpu.memory_space<vmem>>, vector<16xi32>,
    tpu.vector_store %arg7[%swap3A_226, %swap3A_227], %add3A_224 {strides = array<i32>} : memref<3x128xi32, #tpu.memory_space<vmem>>, vector<16xi32>,
    %mul3A_229 = arith.constant 1024 : i32
    %mul3A_230 = vector.broadcast %mul3A_229 : i32 to vector<16xi32>
    %mul3A_231 = arith.muli %iota3A, %mul3A_230 : vector<16xi32>
    %add3A_232 = arith.addi %mul3A_231, %gather3A : vector<16xi32>
    %add3A_233 = arith.constant 262144 : i32
    %add3A_234 = arith.addi %add3A_233, %mul3A_36 : i32
    %add3A_235 = vector.broadcast %add3A_234 : i32 to vector<16xi32>
    %add3A_236 = arith.addi %add3A_232, %add3A_235 : vector<16xi32>
    %swap3A_237 = arith.constant 2 : i32
    %swap3A_238 = arith.index_cast %swap3A_237 : i32 to index
    %swap3A_239 = arith.constant 0 : index
    %swap3A_240 = tpu.vector_load %arg7[%swap3A_238, %swap3A_239] {strides = array<i32>} : memref<3x128xi32, #tpu.memory_space<vmem>>, vector<16xi32>,
    tpu.vector_store %arg7[%swap3A_238, %swap3A_239], %add3A_236 {strides = array<i32>} : memref<3x128xi32, #tpu.memory_space<vmem>>, vector<16xi32>,
    %mul3A_241 = arith.constant 1024 : i32
    %mul3A_242 = vector.broadcast %mul3A_241 : i32 to vector<16xi32>
    %mul3A_243 = arith.muli %iota3A, %mul3A_242 : vector<16xi32>
    %add3A_244 = arith.addi %mul3A_243, %gather3A : vector<16xi32>
    %add3A_245 = arith.constant 278528 : i32
    %add3A_246 = arith.addi %add3A_245, %mul3A_36 : i32
    %add3A_247 = vector.broadcast %add3A_246 : i32 to vector<16xi32>
    %add3A_248 = arith.addi %add3A_244, %add3A_247 : vector<16xi32>
    %swap3A_249 = arith.constant 2 : i32
    %swap3A_250 = arith.index_cast %swap3A_249 : i32 to index
    %swap3A_251 = arith.constant 16 : index
    %swap3A_252 = tpu.vector_load %arg7[%swap3A_250, %swap3A_251] {strides = array<i32>} : memref<3x128xi32, #tpu.memory_space<vmem>>, vector<16xi32>,
    tpu.vector_store %arg7[%swap3A_250, %swap3A_251], %add3A_248 {strides = array<i32>} : memref<3x128xi32, #tpu.memory_space<vmem>>, vector<16xi32>,
    %mul3A_253 = arith.constant 1024 : i32
    %mul3A_254 = vector.broadcast %mul3A_253 : i32 to vector<16xi32>
    %mul3A_255 = arith.muli %iota3A, %mul3A_254 : vector<16xi32>
    %add3A_256 = arith.addi %mul3A_255, %gather3A : vector<16xi32>
    %add3A_257 = arith.constant 294912 : i32
    %add3A_258 = arith.addi %add3A_257, %mul3A_36 : i32
    %add3A_259 = vector.broadcast %add3A_258 : i32 to vector<16xi32>
    %add3A_260 = arith.addi %add3A_256, %add3A_259 : vector<16xi32>
    %swap3A_261 = arith.constant 2 : i32
    %swap3A_262 = arith.index_cast %swap3A_261 : i32 to index
    %swap3A_263 = arith.constant 32 : index
    %swap3A_264 = tpu.vector_load %arg7[%swap3A_262, %swap3A_263] {strides = array<i32>} : memref<3x128xi32, #tpu.memory_space<vmem>>, vector<16xi32>,
    tpu.vector_store %arg7[%swap3A_262, %swap3A_263], %add3A_260 {strides = array<i32>} : memref<3x128xi32, #tpu.memory_space<vmem>>, vector<16xi32>,
    %mul3A_265 = arith.constant 1024 : i32
    %mul3A_266 = vector.broadcast %mul3A_265 : i32 to vector<16xi32>
    %mul3A_267 = arith.muli %iota3A, %mul3A_266 : vector<16xi32>
    %add3A_268 = arith.addi %mul3A_267, %gather3A : vector<16xi32>
    %add3A_269 = arith.constant 311296 : i32
    %add3A_270 = arith.addi %add3A_269, %mul3A_36 : i32
    %add3A_271 = vector.broadcast %add3A_270 : i32 to vector<16xi32>
    %add3A_272 = arith.addi %add3A_268, %add3A_271 : vector<16xi32>
    %swap3A_273 = arith.constant 2 : i32
    %swap3A_274 = arith.index_cast %swap3A_273 : i32 to index
    %swap3A_275 = arith.constant 48 : index
    %swap3A_276 = tpu.vector_load %arg7[%swap3A_274, %swap3A_275] {strides = array<i32>} : memref<3x128xi32, #tpu.memory_space<vmem>>, vector<16xi32>,
    tpu.vector_store %arg7[%swap3A_274, %swap3A_275], %add3A_272 {strides = array<i32>} : memref<3x128xi32, #tpu.memory_space<vmem>>, vector<16xi32>,
    %mul3A_277 = arith.constant 1024 : i32
    %mul3A_278 = vector.broadcast %mul3A_277 : i32 to vector<16xi32>
    %mul3A_279 = arith.muli %iota3A, %mul3A_278 : vector<16xi32>
    %add3A_280 = arith.addi %mul3A_279, %gather3A : vector<16xi32>
    %add3A_281 = arith.constant 327680 : i32
    %add3A_282 = arith.addi %add3A_281, %mul3A_36 : i32
    %add3A_283 = vector.broadcast %add3A_282 : i32 to vector<16xi32>
    %add3A_284 = arith.addi %add3A_280, %add3A_283 : vector<16xi32>
    %swap3A_285 = arith.constant 2 : i32
    %swap3A_286 = arith.index_cast %swap3A_285 : i32 to index
    %swap3A_287 = arith.constant 64 : index
    %swap3A_288 = tpu.vector_load %arg7[%swap3A_286, %swap3A_287] {strides = array<i32>} : memref<3x128xi32, #tpu.memory_space<vmem>>, vector<16xi32>,
    tpu.vector_store %arg7[%swap3A_286, %swap3A_287], %add3A_284 {strides = array<i32>} : memref<3x128xi32, #tpu.memory_space<vmem>>, vector<16xi32>,
    %mul3A_289 = arith.constant 1024 : i32
    %mul3A_290 = vector.broadcast %mul3A_289 : i32 to vector<16xi32>
    %mul3A_291 = arith.muli %iota3A, %mul3A_290 : vector<16xi32>
    %add3A_292 = arith.addi %mul3A_291, %gather3A : vector<16xi32>
    %add3A_293 = arith.constant 344064 : i32
    %add3A_294 = arith.addi %add3A_293, %mul3A_36 : i32
    %add3A_295 = vector.broadcast %add3A_294 : i32 to vector<16xi32>
    %add3A_296 = arith.addi %add3A_292, %add3A_295 : vector<16xi32>
    %swap3A_297 = arith.constant 2 : i32
    %swap3A_298 = arith.index_cast %swap3A_297 : i32 to index
    %swap3A_299 = arith.constant 80 : index
    %swap3A_300 = tpu.vector_load %arg7[%swap3A_298, %swap3A_299] {strides = array<i32>} : memref<3x128xi32, #tpu.memory_space<vmem>>, vector<16xi32>,
    tpu.vector_store %arg7[%swap3A_298, %swap3A_299], %add3A_296 {strides = array<i32>} : memref<3x128xi32, #tpu.memory_space<vmem>>, vector<16xi32>,
    %mul3A_301 = arith.constant 1024 : i32
    %mul3A_302 = vector.broadcast %mul3A_301 : i32 to vector<16xi32>
    %mul3A_303 = arith.muli %iota3A, %mul3A_302 : vector<16xi32>
    %add3A_304 = arith.addi %mul3A_303, %gather3A : vector<16xi32>
    %add3A_305 = arith.constant 360448 : i32
    %add3A_306 = arith.addi %add3A_305, %mul3A_36 : i32
    %add3A_307 = vector.broadcast %add3A_306 : i32 to vector<16xi32>
    %add3A_308 = arith.addi %add3A_304, %add3A_307 : vector<16xi32>
    %swap3A_309 = arith.constant 2 : i32
    %swap3A_310 = arith.index_cast %swap3A_309 : i32 to index
    %swap3A_311 = arith.constant 96 : index
    %swap3A_312 = tpu.vector_load %arg7[%swap3A_310, %swap3A_311] {strides = array<i32>} : memref<3x128xi32, #tpu.memory_space<vmem>>, vector<16xi32>,
    tpu.vector_store %arg7[%swap3A_310, %swap3A_311], %add3A_308 {strides = array<i32>} : memref<3x128xi32, #tpu.memory_space<vmem>>, vector<16xi32>,
    %mul3A_313 = arith.constant 1024 : i32
    %mul3A_314 = vector.broadcast %mul3A_313 : i32 to vector<16xi32>
    %mul3A_315 = arith.muli %iota3A, %mul3A_314 : vector<16xi32>
    %add3A_316 = arith.addi %mul3A_315, %gather3A : vector<16xi32>
    %add3A_317 = arith.constant 376832 : i32
    %add3A_318 = arith.addi %add3A_317, %mul3A_36 : i32
    %add3A_319 = vector.broadcast %add3A_318 : i32 to vector<16xi32>
    %add3A_320 = arith.addi %add3A_316, %add3A_319 : vector<16xi32>
    %swap3A_321 = arith.constant 2 : i32
    %swap3A_322 = arith.index_cast %swap3A_321 : i32 to index
    %swap3A_323 = arith.constant 112 : index
    %swap3A_324 = tpu.vector_load %arg7[%swap3A_322, %swap3A_323] {strides = array<i32>} : memref<3x128xi32, #tpu.memory_space<vmem>>, vector<16xi32>,
    tpu.vector_store %arg7[%swap3A_322, %swap3A_323], %add3A_320 {strides = array<i32>} : memref<3x128xi32, #tpu.memory_space<vmem>>, vector<16xi32>,
    %add3A_325 = arith.constant 0 : i32
    %add3A_326 = arith.addi %mul3A_36, %add3A_325 : i32
    %dma_start3A = arith.constant 0 : i32
    %dma_start3A_327 = arith.constant 0 : i32
    %dma_start3A_328 = tpu.memref_slice %arg5[%arg1, %dma_start3A, %dma_start3A_327] : memref<16x2x49152xf32, #tpu.memory_space<vmem_shared>> -> memref<1x1x49152xf32, #tpu.memory_space<vmem_shared>>
    %dma_start3A_329 = tpu.memref_squeeze %dma_start3A_328 : memref<1x1x49152xf32, #tpu.memory_space<vmem_shared>> -> memref<49152xf32, #tpu.memory_space<vmem_shared>>
    %dma_start3A_330 = tpu.memref_slice %arg2[%add3A_326] : memref<12582912xf32, #tpu.memory_space<hbm>> -> memref<49152xf32, #tpu.memory_space<hbm>>
    tpu.enqueue_dma source(%dma_start3A_330 : memref<49152xf32, #tpu.memory_space<hbm>>) target(%dma_start3A_329 : memref<49152xf32, #tpu.memory_space<vmem_shared>>) target_semaphore(%arg9 : memref<!tpu.dma_semaphore, #tpu.memory_space<semaphore_mem>>)
    %add3A_331 = arith.constant 49152 : i32
    %add3A_332 = arith.addi %mul3A_36, %add3A_331 : i32
    %dma_start3A_333 = arith.constant 1 : i32
    %dma_start3A_334 = arith.constant 0 : i32
    %dma_start3A_335 = tpu.memref_slice %arg5[%arg1, %dma_start3A_333, %dma_start3A_334] : memref<16x2x49152xf32, #tpu.memory_space<vmem_shared>> -> memref<1x1x49152xf32, #tpu.memory_space<vmem_shared>>
    %dma_start3A_336 = tpu.memref_squeeze %dma_start3A_335 : memref<1x1x49152xf32, #tpu.memory_space<vmem_shared>> -> memref<49152xf32, #tpu.memory_space<vmem_shared>>
    %dma_start3A_337 = tpu.memref_slice %arg2[%add3A_332] : memref<12582912xf32, #tpu.memory_space<hbm>> -> memref<49152xf32, #tpu.memory_space<hbm>>
    tpu.enqueue_dma source(%dma_start3A_337 : memref<49152xf32, #tpu.memory_space<hbm>>) target(%dma_start3A_336 : memref<49152xf32, #tpu.memory_space<vmem_shared>>) target_semaphore(%arg10 : memref<!tpu.dma_semaphore, #tpu.memory_space<semaphore_mem>>)
    %add3A_338 = arith.constant 0 : i32
    %add3A_339 = arith.addi %mul3A_36, %add3A_338 : i32
    %dma_wait3A = arith.constant 0 : i32
    %dma_wait3A_340 = arith.constant 0 : i32
    %dma_wait3A_341 = tpu.memref_slice %arg5[%arg1, %dma_wait3A, %dma_wait3A_340] : memref<16x2x49152xf32, #tpu.memory_space<vmem_shared>> -> memref<1x1x49152xf32, #tpu.memory_space<vmem_shared>>
    %dma_wait3A_342 = tpu.memref_squeeze %dma_wait3A_341 : memref<1x1x49152xf32, #tpu.memory_space<vmem_shared>> -> memref<49152xf32, #tpu.memory_space<vmem_shared>>
    %dma_wait3A_343 = tpu.memref_slice %arg2[%add3A_339] : memref<12582912xf32, #tpu.memory_space<hbm>> -> memref<49152xf32, #tpu.memory_space<hbm>>
    tpu.wait_dma2 semaphore(%arg9 : memref<!tpu.dma_semaphore, #tpu.memory_space<semaphore_mem>>) src(%dma_wait3A_343 : memref<49152xf32, #tpu.memory_space<hbm>>) dst(%dma_wait3A_342 : memref<49152xf32, #tpu.memory_space<vmem_shared>>)
    %add3A_344 = arith.constant 0 : i32
    %add3A_345 = arith.addi %mul3A_36, %add3A_344 : i32
    %dma_start3A_346 = arith.constant 0 : i32
    %dma_start3A_347 = tpu.memref_slice %arg4[%add3A_345] : memref<12582912xf32, #tpu.memory_space<hbm>> -> memref<49152xf32, #tpu.memory_space<hbm>>
    %dma_start3A_348 = arith.constant 0 : i32
    %dma_start3A_349 = tpu.memref_slice %arg5[%arg1, %dma_start3A_346, %dma_start3A_348] : memref<16x2x49152xf32, #tpu.memory_space<vmem_shared>> -> memref<1x1x49152xf32, #tpu.memory_space<vmem_shared>>
    %dma_start3A_350 = tpu.memref_squeeze %dma_start3A_349 : memref<1x1x49152xf32, #tpu.memory_space<vmem_shared>> -> memref<49152xf32, #tpu.memory_space<vmem_shared>>
    tpu.enqueue_dma source(%dma_start3A_350 : memref<49152xf32, #tpu.memory_space<vmem_shared>>) target(%dma_start3A_347 : memref<49152xf32, #tpu.memory_space<hbm>>) target_semaphore(%arg11 : memref<!tpu.dma_semaphore, #tpu.memory_space<semaphore_mem>>)
    %add3A_351 = arith.constant 0 : i32
    %add3A_352 = arith.addi %mul3A_36, %add3A_351 : i32
    %dma_wait3A_353 = arith.constant 0 : i32
    %dma_wait3A_354 = tpu.memref_slice %arg4[%add3A_352] : memref<12582912xf32, #tpu.memory_space<hbm>> -> memref<49152xf32, #tpu.memory_space<hbm>>
    %dma_wait3A_355 = arith.constant 0 : i32
    %dma_wait3A_356 = tpu.memref_slice %arg5[%arg1, %dma_wait3A_353, %dma_wait3A_355] : memref<16x2x49152xf32, #tpu.memory_space<vmem_shared>> -> memref<1x1x49152xf32, #tpu.memory_space<vmem_shared>>
    %dma_wait3A_357 = tpu.memref_squeeze %dma_wait3A_356 : memref<1x1x49152xf32, #tpu.memory_space<vmem_shared>> -> memref<49152xf32, #tpu.memory_space<vmem_shared>>
    tpu.wait_dma2 semaphore(%arg11 : memref<!tpu.dma_semaphore, #tpu.memory_space<semaphore_mem>>) src(%dma_wait3A_357 : memref<49152xf32, #tpu.memory_space<vmem_shared>>) dst(%dma_wait3A_354 : memref<49152xf32, #tpu.memory_space<hbm>>)
    %add3A_358 = arith.constant 98304 : i32
    %add3A_359 = arith.addi %mul3A_36, %add3A_358 : i32
    %dma_start3A_360 = arith.constant 0 : i32
    %dma_start3A_361 = arith.constant 0 : i32
    %dma_start3A_362 = tpu.memref_slice %arg5[%arg1, %dma_start3A_360, %dma_start3A_361] : memref<16x2x49152xf32, #tpu.memory_space<vmem_shared>> -> memref<1x1x49152xf32, #tpu.memory_space<vmem_shared>>
    %dma_start3A_363 = tpu.memref_squeeze %dma_start3A_362 : memref<1x1x49152xf32, #tpu.memory_space<vmem_shared>> -> memref<49152xf32, #tpu.memory_space<vmem_shared>>
    %dma_start3A_364 = tpu.memref_slice %arg2[%add3A_359] : memref<12582912xf32, #tpu.memory_space<hbm>> -> memref<49152xf32, #tpu.memory_space<hbm>>
    tpu.enqueue_dma source(%dma_start3A_364 : memref<49152xf32, #tpu.memory_space<hbm>>) target(%dma_start3A_363 : memref<49152xf32, #tpu.memory_space<vmem_shared>>) target_semaphore(%arg9 : memref<!tpu.dma_semaphore, #tpu.memory_space<semaphore_mem>>)
    %add3A_365 = arith.constant 49152 : i32
    %add3A_366 = arith.addi %mul3A_36, %add3A_365 : i32
    %dma_wait3A_367 = arith.constant 1 : i32
    %dma_wait3A_368 = arith.constant 0 : i32
    %dma_wait3A_369 = tpu.memref_slice %arg5[%arg1, %dma_wait3A_367, %dma_wait3A_368] : memref<16x2x49152xf32, #tpu.memory_space<vmem_shared>> -> memref<1x1x49152xf32, #tpu.memory_space<vmem_shared>>
    %dma_wait3A_370 = tpu.memref_squeeze %dma_wait3A_369 : memref<1x1x49152xf32, #tpu.memory_space<vmem_shared>> -> memref<49152xf32, #tpu.memory_space<vmem_shared>>
    %dma_wait3A_371 = tpu.memref_slice %arg2[%add3A_366] : memref<12582912xf32, #tpu.memory_space<hbm>> -> memref<49152xf32, #tpu.memory_space<hbm>>
    tpu.wait_dma2 semaphore(%arg10 : memref<!tpu.dma_semaphore, #tpu.memory_space<semaphore_mem>>) src(%dma_wait3A_371 : memref<49152xf32, #tpu.memory_space<hbm>>) dst(%dma_wait3A_370 : memref<49152xf32, #tpu.memory_space<vmem_shared>>)
    %add3A_372 = arith.constant 49152 : i32
    %add3A_373 = arith.addi %mul3A_36, %add3A_372 : i32
    %dma_start3A_374 = arith.constant 1 : i32
    %dma_start3A_375 = tpu.memref_slice %arg4[%add3A_373] : memref<12582912xf32, #tpu.memory_space<hbm>> -> memref<49152xf32, #tpu.memory_space<hbm>>
    %dma_start3A_376 = arith.constant 0 : i32
    %dma_start3A_377 = tpu.memref_slice %arg5[%arg1, %dma_start3A_374, %dma_start3A_376] : memref<16x2x49152xf32, #tpu.memory_space<vmem_shared>> -> memref<1x1x49152xf32, #tpu.memory_space<vmem_shared>>
    %dma_start3A_378 = tpu.memref_squeeze %dma_start3A_377 : memref<1x1x49152xf32, #tpu.memory_space<vmem_shared>> -> memref<49152xf32, #tpu.memory_space<vmem_shared>>
    tpu.enqueue_dma source(%dma_start3A_378 : memref<49152xf32, #tpu.memory_space<vmem_shared>>) target(%dma_start3A_375 : memref<49152xf32, #tpu.memory_space<hbm>>) target_semaphore(%arg12 : memref<!tpu.dma_semaphore, #tpu.memory_space<semaphore_mem>>)
    %add3A_379 = arith.constant 49152 : i32
    %add3A_380 = arith.addi %mul3A_36, %add3A_379 : i32
    %dma_wait3A_381 = arith.constant 1 : i32
    %dma_wait3A_382 = tpu.memref_slice %arg4[%add3A_380] : memref<12582912xf32, #tpu.memory_space<hbm>> -> memref<49152xf32, #tpu.memory_space<hbm>>
    %dma_wait3A_383 = arith.constant 0 : i32
    %dma_wait3A_384 = tpu.memref_slice %arg5[%arg1, %dma_wait3A_381, %dma_wait3A_383] : memref<16x2x49152xf32, #tpu.memory_space<vmem_shared>> -> memref<1x1x49152xf32, #tpu.memory_space<vmem_shared>>
    %dma_wait3A_385 = tpu.memref_squeeze %dma_wait3A_384 : memref<1x1x49152xf32, #tpu.memory_space<vmem_shared>> -> memref<49152xf32, #tpu.memory_space<vmem_shared>>
    tpu.wait_dma2 semaphore(%arg12 : memref<!tpu.dma_semaphore, #tpu.memory_space<semaphore_mem>>) src(%dma_wait3A_385 : memref<49152xf32, #tpu.memory_space<vmem_shared>>) dst(%dma_wait3A_382 : memref<49152xf32, #tpu.memory_space<hbm>>)
    %add3A_386 = arith.constant 147456 : i32
    %add3A_387 = arith.addi %mul3A_36, %add3A_386 : i32
    %dma_start3A_388 = arith.constant 1 : i32
    %dma_start3A_389 = arith.constant 0 : i32
    %dma_start3A_390 = tpu.memref_slice %arg5[%arg1, %dma_start3A_388, %dma_start3A_389] : memref<16x2x49152xf32, #tpu.memory_space<vmem_shared>> -> memref<1x1x49152xf32, #tpu.memory_space<vmem_shared>>
    %dma_start3A_391 = tpu.memref_squeeze %dma_start3A_390 : memref<1x1x49152xf32, #tpu.memory_space<vmem_shared>> -> memref<49152xf32, #tpu.memory_space<vmem_shared>>
    %dma_start3A_392 = tpu.memref_slice %arg2[%add3A_387] : memref<12582912xf32, #tpu.memory_space<hbm>> -> memref<49152xf32, #tpu.memory_space<hbm>>
    tpu.enqueue_dma source(%dma_start3A_392 : memref<49152xf32, #tpu.memory_space<hbm>>) target(%dma_start3A_391 : memref<49152xf32, #tpu.memory_space<vmem_shared>>) target_semaphore(%arg10 : memref<!tpu.dma_semaphore, #tpu.memory_space<semaphore_mem>>)
    %add3A_393 = arith.constant 98304 : i32
    %add3A_394 = arith.addi %mul3A_36, %add3A_393 : i32
    %dma_wait3A_395 = arith.constant 0 : i32
    %dma_wait3A_396 = arith.constant 0 : i32
    %dma_wait3A_397 = tpu.memref_slice %arg5[%arg1, %dma_wait3A_395, %dma_wait3A_396] : memref<16x2x49152xf32, #tpu.memory_space<vmem_shared>> -> memref<1x1x49152xf32, #tpu.memory_space<vmem_shared>>
    %dma_wait3A_398 = tpu.memref_squeeze %dma_wait3A_397 : memref<1x1x49152xf32, #tpu.memory_space<vmem_shared>> -> memref<49152xf32, #tpu.memory_space<vmem_shared>>
    %dma_wait3A_399 = tpu.memref_slice %arg2[%add3A_394] : memref<12582912xf32, #tpu.memory_space<hbm>> -> memref<49152xf32, #tpu.memory_space<hbm>>
    tpu.wait_dma2 semaphore(%arg9 : memref<!tpu.dma_semaphore, #tpu.memory_space<semaphore_mem>>) src(%dma_wait3A_399 : memref<49152xf32, #tpu.memory_space<hbm>>) dst(%dma_wait3A_398 : memref<49152xf32, #tpu.memory_space<vmem_shared>>)
    %add3A_400 = arith.constant 98304 : i32
    %add3A_401 = arith.addi %mul3A_36, %add3A_400 : i32
    %dma_start3A_402 = arith.constant 0 : i32
    %dma_start3A_403 = tpu.memref_slice %arg4[%add3A_401] : memref<12582912xf32, #tpu.memory_space<hbm>> -> memref<49152xf32, #tpu.memory_space<hbm>>
    %dma_start3A_404 = arith.constant 0 : i32
    %dma_start3A_405 = tpu.memref_slice %arg5[%arg1, %dma_start3A_402, %dma_start3A_404] : memref<16x2x49152xf32, #tpu.memory_space<vmem_shared>> -> memref<1x1x49152xf32, #tpu.memory_space<vmem_shared>>
    %dma_start3A_406 = tpu.memref_squeeze %dma_start3A_405 : memref<1x1x49152xf32, #tpu.memory_space<vmem_shared>> -> memref<49152xf32, #tpu.memory_space<vmem_shared>>
    tpu.enqueue_dma source(%dma_start3A_406 : memref<49152xf32, #tpu.memory_space<vmem_shared>>) target(%dma_start3A_403 : memref<49152xf32, #tpu.memory_space<hbm>>) target_semaphore(%arg11 : memref<!tpu.dma_semaphore, #tpu.memory_space<semaphore_mem>>)
    %add3A_407 = arith.constant 98304 : i32
    %add3A_408 = arith.addi %mul3A_36, %add3A_407 : i32
    %dma_wait3A_409 = arith.constant 0 : i32
    %dma_wait3A_410 = tpu.memref_slice %arg4[%add3A_408] : memref<12582912xf32, #tpu.memory_space<hbm>> -> memref<49152xf32, #tpu.memory_space<hbm>>
    %dma_wait3A_411 = arith.constant 0 : i32
    %dma_wait3A_412 = tpu.memref_slice %arg5[%arg1, %dma_wait3A_409, %dma_wait3A_411] : memref<16x2x49152xf32, #tpu.memory_space<vmem_shared>> -> memref<1x1x49152xf32, #tpu.memory_space<vmem_shared>>
    %dma_wait3A_413 = tpu.memref_squeeze %dma_wait3A_412 : memref<1x1x49152xf32, #tpu.memory_space<vmem_shared>> -> memref<49152xf32, #tpu.memory_space<vmem_shared>>
    tpu.wait_dma2 semaphore(%arg11 : memref<!tpu.dma_semaphore, #tpu.memory_space<semaphore_mem>>) src(%dma_wait3A_413 : memref<49152xf32, #tpu.memory_space<vmem_shared>>) dst(%dma_wait3A_410 : memref<49152xf32, #tpu.memory_space<hbm>>)
    %add3A_414 = arith.constant 196608 : i32
    %add3A_415 = arith.addi %mul3A_36, %add3A_414 : i32
    %dma_start3A_416 = arith.constant 0 : i32
    %dma_start3A_417 = arith.constant 0 : i32
    %dma_start3A_418 = tpu.memref_slice %arg5[%arg1, %dma_start3A_416, %dma_start3A_417] : memref<16x2x49152xf32, #tpu.memory_space<vmem_shared>> -> memref<1x1x49152xf32, #tpu.memory_space<vmem_shared>>
    %dma_start3A_419 = tpu.memref_squeeze %dma_start3A_418 : memref<1x1x49152xf32, #tpu.memory_space<vmem_shared>> -> memref<49152xf32, #tpu.memory_space<vmem_shared>>
    %dma_start3A_420 = tpu.memref_slice %arg2[%add3A_415] : memref<12582912xf32, #tpu.memory_space<hbm>> -> memref<49152xf32, #tpu.memory_space<hbm>>
    tpu.enqueue_dma source(%dma_start3A_420 : memref<49152xf32, #tpu.memory_space<hbm>>) target(%dma_start3A_419 : memref<49152xf32, #tpu.memory_space<vmem_shared>>) target_semaphore(%arg9 : memref<!tpu.dma_semaphore, #tpu.memory_space<semaphore_mem>>)
    %add3A_421 = arith.constant 147456 : i32
    %add3A_422 = arith.addi %mul3A_36, %add3A_421 : i32
    %dma_wait3A_423 = arith.constant 1 : i32
    %dma_wait3A_424 = arith.constant 0 : i32
    %dma_wait3A_425 = tpu.memref_slice %arg5[%arg1, %dma_wait3A_423, %dma_wait3A_424] : memref<16x2x49152xf32, #tpu.memory_space<vmem_shared>> -> memref<1x1x49152xf32, #tpu.memory_space<vmem_shared>>
    %dma_wait3A_426 = tpu.memref_squeeze %dma_wait3A_425 : memref<1x1x49152xf32, #tpu.memory_space<vmem_shared>> -> memref<49152xf32, #tpu.memory_space<vmem_shared>>
    %dma_wait3A_427 = tpu.memref_slice %arg2[%add3A_422] : memref<12582912xf32, #tpu.memory_space<hbm>> -> memref<49152xf32, #tpu.memory_space<hbm>>
    tpu.wait_dma2 semaphore(%arg10 : memref<!tpu.dma_semaphore, #tpu.memory_space<semaphore_mem>>) src(%dma_wait3A_427 : memref<49152xf32, #tpu.memory_space<hbm>>) dst(%dma_wait3A_426 : memref<49152xf32, #tpu.memory_space<vmem_shared>>)
    %add3A_428 = arith.constant 147456 : i32
    %add3A_429 = arith.addi %mul3A_36, %add3A_428 : i32
    %dma_start3A_430 = arith.constant 1 : i32
    %dma_start3A_431 = tpu.memref_slice %arg4[%add3A_429] : memref<12582912xf32, #tpu.memory_space<hbm>> -> memref<49152xf32, #tpu.memory_space<hbm>>
    %dma_start3A_432 = arith.constant 0 : i32
    %dma_start3A_433 = tpu.memref_slice %arg5[%arg1, %dma_start3A_430, %dma_start3A_432] : memref<16x2x49152xf32, #tpu.memory_space<vmem_shared>> -> memref<1x1x49152xf32, #tpu.memory_space<vmem_shared>>
    %dma_start3A_434 = tpu.memref_squeeze %dma_start3A_433 : memref<1x1x49152xf32, #tpu.memory_space<vmem_shared>> -> memref<49152xf32, #tpu.memory_space<vmem_shared>>
    tpu.enqueue_dma source(%dma_start3A_434 : memref<49152xf32, #tpu.memory_space<vmem_shared>>) target(%dma_start3A_431 : memref<49152xf32, #tpu.memory_space<hbm>>) target_semaphore(%arg12 : memref<!tpu.dma_semaphore, #tpu.memory_space<semaphore_mem>>)
    %add3A_435 = arith.constant 147456 : i32
    %add3A_436 = arith.addi %mul3A_36, %add3A_435 : i32
    %dma_wait3A_437 = arith.constant 1 : i32
    %dma_wait3A_438 = tpu.memref_slice %arg4[%add3A_436] : memref<12582912xf32, #tpu.memory_space<hbm>> -> memref<49152xf32, #tpu.memory_space<hbm>>
    %dma_wait3A_439 = arith.constant 0 : i32
    %dma_wait3A_440 = tpu.memref_slice %arg5[%arg1, %dma_wait3A_437, %dma_wait3A_439] : memref<16x2x49152xf32, #tpu.memory_space<vmem_shared>> -> memref<1x1x49152xf32, #tpu.memory_space<vmem_shared>>
    %dma_wait3A_441 = tpu.memref_squeeze %dma_wait3A_440 : memref<1x1x49152xf32, #tpu.memory_space<vmem_shared>> -> memref<49152xf32, #tpu.memory_space<vmem_shared>>
    tpu.wait_dma2 semaphore(%arg12 : memref<!tpu.dma_semaphore, #tpu.memory_space<semaphore_mem>>) src(%dma_wait3A_441 : memref<49152xf32, #tpu.memory_space<vmem_shared>>) dst(%dma_wait3A_438 : memref<49152xf32, #tpu.memory_space<hbm>>)
    %add3A_442 = arith.constant 245760 : i32
    %add3A_443 = arith.addi %mul3A_36, %add3A_442 : i32
    %dma_start3A_444 = arith.constant 1 : i32
    %dma_start3A_445 = arith.constant 0 : i32
    %dma_start3A_446 = tpu.memref_slice %arg5[%arg1, %dma_start3A_444, %dma_start3A_445] : memref<16x2x49152xf32, #tpu.memory_space<vmem_shared>> -> memref<1x1x49152xf32, #tpu.memory_space<vmem_shared>>
    %dma_start3A_447 = tpu.memref_squeeze %dma_start3A_446 : memref<1x1x49152xf32, #tpu.memory_space<vmem_shared>> -> memref<49152xf32, #tpu.memory_space<vmem_shared>>
    %dma_start3A_448 = tpu.memref_slice %arg2[%add3A_443] : memref<12582912xf32, #tpu.memory_space<hbm>> -> memref<49152xf32, #tpu.memory_space<hbm>>
    tpu.enqueue_dma source(%dma_start3A_448 : memref<49152xf32, #tpu.memory_space<hbm>>) target(%dma_start3A_447 : memref<49152xf32, #tpu.memory_space<vmem_shared>>) target_semaphore(%arg10 : memref<!tpu.dma_semaphore, #tpu.memory_space<semaphore_mem>>)
    %add3A_449 = arith.constant 196608 : i32
    %add3A_450 = arith.addi %mul3A_36, %add3A_449 : i32
    %dma_wait3A_451 = arith.constant 0 : i32
    %dma_wait3A_452 = arith.constant 0 : i32
    %dma_wait3A_453 = tpu.memref_slice %arg5[%arg1, %dma_wait3A_451, %dma_wait3A_452] : memref<16x2x49152xf32, #tpu.memory_space<vmem_shared>> -> memref<1x1x49152xf32, #tpu.memory_space<vmem_shared>>
    %dma_wait3A_454 = tpu.memref_squeeze %dma_wait3A_453 : memref<1x1x49152xf32, #tpu.memory_space<vmem_shared>> -> memref<49152xf32, #tpu.memory_space<vmem_shared>>
    %dma_wait3A_455 = tpu.memref_slice %arg2[%add3A_450] : memref<12582912xf32, #tpu.memory_space<hbm>> -> memref<49152xf32, #tpu.memory_space<hbm>>
    tpu.wait_dma2 semaphore(%arg9 : memref<!tpu.dma_semaphore, #tpu.memory_space<semaphore_mem>>) src(%dma_wait3A_455 : memref<49152xf32, #tpu.memory_space<hbm>>) dst(%dma_wait3A_454 : memref<49152xf32, #tpu.memory_space<vmem_shared>>)
    %add3A_456 = arith.constant 196608 : i32
    %add3A_457 = arith.addi %mul3A_36, %add3A_456 : i32
    %dma_start3A_458 = arith.constant 0 : i32
    %dma_start3A_459 = tpu.memref_slice %arg4[%add3A_457] : memref<12582912xf32, #tpu.memory_space<hbm>> -> memref<49152xf32, #tpu.memory_space<hbm>>
    %dma_start3A_460 = arith.constant 0 : i32
    %dma_start3A_461 = tpu.memref_slice %arg5[%arg1, %dma_start3A_458, %dma_start3A_460] : memref<16x2x49152xf32, #tpu.memory_space<vmem_shared>> -> memref<1x1x49152xf32, #tpu.memory_space<vmem_shared>>
    %dma_start3A_462 = tpu.memref_squeeze %dma_start3A_461 : memref<1x1x49152xf32, #tpu.memory_space<vmem_shared>> -> memref<49152xf32, #tpu.memory_space<vmem_shared>>
    tpu.enqueue_dma source(%dma_start3A_462 : memref<49152xf32, #tpu.memory_space<vmem_shared>>) target(%dma_start3A_459 : memref<49152xf32, #tpu.memory_space<hbm>>) target_semaphore(%arg11 : memref<!tpu.dma_semaphore, #tpu.memory_space<semaphore_mem>>)
    %add3A_463 = arith.constant 196608 : i32
    %add3A_464 = arith.addi %mul3A_36, %add3A_463 : i32
    %dma_wait3A_465 = arith.constant 0 : i32
    %dma_wait3A_466 = tpu.memref_slice %arg4[%add3A_464] : memref<12582912xf32, #tpu.memory_space<hbm>> -> memref<49152xf32, #tpu.memory_space<hbm>>
    %dma_wait3A_467 = arith.constant 0 : i32
    %dma_wait3A_468 = tpu.memref_slice %arg5[%arg1, %dma_wait3A_465, %dma_wait3A_467] : memref<16x2x49152xf32, #tpu.memory_space<vmem_shared>> -> memref<1x1x49152xf32, #tpu.memory_space<vmem_shared>>
    %dma_wait3A_469 = tpu.memref_squeeze %dma_wait3A_468 : memref<1x1x49152xf32, #tpu.memory_space<vmem_shared>> -> memref<49152xf32, #tpu.memory_space<vmem_shared>>
    tpu.wait_dma2 semaphore(%arg11 : memref<!tpu.dma_semaphore, #tpu.memory_space<semaphore_mem>>) src(%dma_wait3A_469 : memref<49152xf32, #tpu.memory_space<vmem_shared>>) dst(%dma_wait3A_466 : memref<49152xf32, #tpu.memory_space<hbm>>)
    %add3A_470 = arith.constant 294912 : i32
    %add3A_471 = arith.addi %mul3A_36, %add3A_470 : i32
    %dma_start3A_472 = arith.constant 0 : i32
    %dma_start3A_473 = arith.constant 0 : i32
    %dma_start3A_474 = tpu.memref_slice %arg5[%arg1, %dma_start3A_472, %dma_start3A_473] : memref<16x2x49152xf32, #tpu.memory_space<vmem_shared>> -> memref<1x1x49152xf32, #tpu.memory_space<vmem_shared>>
    %dma_start3A_475 = tpu.memref_squeeze %dma_start3A_474 : memref<1x1x49152xf32, #tpu.memory_space<vmem_shared>> -> memref<49152xf32, #tpu.memory_space<vmem_shared>>
    %dma_start3A_476 = tpu.memref_slice %arg2[%add3A_471] : memref<12582912xf32, #tpu.memory_space<hbm>> -> memref<49152xf32, #tpu.memory_space<hbm>>
    tpu.enqueue_dma source(%dma_start3A_476 : memref<49152xf32, #tpu.memory_space<hbm>>) target(%dma_start3A_475 : memref<49152xf32, #tpu.memory_space<vmem_shared>>) target_semaphore(%arg9 : memref<!tpu.dma_semaphore, #tpu.memory_space<semaphore_mem>>)
    %add3A_477 = arith.constant 245760 : i32
    %add3A_478 = arith.addi %mul3A_36, %add3A_477 : i32
    %dma_wait3A_479 = arith.constant 1 : i32
    %dma_wait3A_480 = arith.constant 0 : i32
    %dma_wait3A_481 = tpu.memref_slice %arg5[%arg1, %dma_wait3A_479, %dma_wait3A_480] : memref<16x2x49152xf32, #tpu.memory_space<vmem_shared>> -> memref<1x1x49152xf32, #tpu.memory_space<vmem_shared>>
    %dma_wait3A_482 = tpu.memref_squeeze %dma_wait3A_481 : memref<1x1x49152xf32, #tpu.memory_space<vmem_shared>> -> memref<49152xf32, #tpu.memory_space<vmem_shared>>
    %dma_wait3A_483 = tpu.memref_slice %arg2[%add3A_478] : memref<12582912xf32, #tpu.memory_space<hbm>> -> memref<49152xf32, #tpu.memory_space<hbm>>
    tpu.wait_dma2 semaphore(%arg10 : memref<!tpu.dma_semaphore, #tpu.memory_space<semaphore_mem>>) src(%dma_wait3A_483 : memref<49152xf32, #tpu.memory_space<hbm>>) dst(%dma_wait3A_482 : memref<49152xf32, #tpu.memory_space<vmem_shared>>)
    %add3A_484 = arith.constant 245760 : i32
    %add3A_485 = arith.addi %mul3A_36, %add3A_484 : i32
    %dma_start3A_486 = arith.constant 1 : i32
    %dma_start3A_487 = tpu.memref_slice %arg4[%add3A_485] : memref<12582912xf32, #tpu.memory_space<hbm>> -> memref<49152xf32, #tpu.memory_space<hbm>>
    %dma_start3A_488 = arith.constant 0 : i32
    %dma_start3A_489 = tpu.memref_slice %arg5[%arg1, %dma_start3A_486, %dma_start3A_488] : memref<16x2x49152xf32, #tpu.memory_space<vmem_shared>> -> memref<1x1x49152xf32, #tpu.memory_space<vmem_shared>>
    %dma_start3A_490 = tpu.memref_squeeze %dma_start3A_489 : memref<1x1x49152xf32, #tpu.memory_space<vmem_shared>> -> memref<49152xf32, #tpu.memory_space<vmem_shared>>
    tpu.enqueue_dma source(%dma_start3A_490 : memref<49152xf32, #tpu.memory_space<vmem_shared>>) target(%dma_start3A_487 : memref<49152xf32, #tpu.memory_space<hbm>>) target_semaphore(%arg12 : memref<!tpu.dma_semaphore, #tpu.memory_space<semaphore_mem>>)
    %add3A_491 = arith.constant 245760 : i32
    %add3A_492 = arith.addi %mul3A_36, %add3A_491 : i32
    %dma_wait3A_493 = arith.constant 1 : i32
    %dma_wait3A_494 = tpu.memref_slice %arg4[%add3A_492] : memref<12582912xf32, #tpu.memory_space<hbm>> -> memref<49152xf32, #tpu.memory_space<hbm>>
    %dma_wait3A_495 = arith.constant 0 : i32
    %dma_wait3A_496 = tpu.memref_slice %arg5[%arg1, %dma_wait3A_493, %dma_wait3A_495] : memref<16x2x49152xf32, #tpu.memory_space<vmem_shared>> -> memref<1x1x49152xf32, #tpu.memory_space<vmem_shared>>
    %dma_wait3A_497 = tpu.memref_squeeze %dma_wait3A_496 : memref<1x1x49152xf32, #tpu.memory_space<vmem_shared>> -> memref<49152xf32, #tpu.memory_space<vmem_shared>>
    tpu.wait_dma2 semaphore(%arg12 : memref<!tpu.dma_semaphore, #tpu.memory_space<semaphore_mem>>) src(%dma_wait3A_497 : memref<49152xf32, #tpu.memory_space<vmem_shared>>) dst(%dma_wait3A_494 : memref<49152xf32, #tpu.memory_space<hbm>>)
    %add3A_498 = arith.constant 344064 : i32
    %add3A_499 = arith.addi %mul3A_36, %add3A_498 : i32
    %dma_start3A_500 = arith.constant 1 : i32
    %dma_start3A_501 = arith.constant 0 : i32
    %dma_start3A_502 = tpu.memref_slice %arg5[%arg1, %dma_start3A_500, %dma_start3A_501] : memref<16x2x49152xf32, #tpu.memory_space<vmem_shared>> -> memref<1x1x49152xf32, #tpu.memory_space<vmem_shared>>
    %dma_start3A_503 = tpu.memref_squeeze %dma_start3A_502 : memref<1x1x49152xf32, #tpu.memory_space<vmem_shared>> -> memref<49152xf32, #tpu.memory_space<vmem_shared>>
    %dma_start3A_504 = tpu.memref_slice %arg2[%add3A_499] : memref<12582912xf32, #tpu.memory_space<hbm>> -> memref<49152xf32, #tpu.memory_space<hbm>>
    tpu.enqueue_dma source(%dma_start3A_504 : memref<49152xf32, #tpu.memory_space<hbm>>) target(%dma_start3A_503 : memref<49152xf32, #tpu.memory_space<vmem_shared>>) target_semaphore(%arg10 : memref<!tpu.dma_semaphore, #tpu.memory_space<semaphore_mem>>)
    %add3A_505 = arith.constant 294912 : i32
    %add3A_506 = arith.addi %mul3A_36, %add3A_505 : i32
    %dma_wait3A_507 = arith.constant 0 : i32
    %dma_wait3A_508 = arith.constant 0 : i32
    %dma_wait3A_509 = tpu.memref_slice %arg5[%arg1, %dma_wait3A_507, %dma_wait3A_508] : memref<16x2x49152xf32, #tpu.memory_space<vmem_shared>> -> memref<1x1x49152xf32, #tpu.memory_space<vmem_shared>>
    %dma_wait3A_510 = tpu.memref_squeeze %dma_wait3A_509 : memref<1x1x49152xf32, #tpu.memory_space<vmem_shared>> -> memref<49152xf32, #tpu.memory_space<vmem_shared>>
    %dma_wait3A_511 = tpu.memref_slice %arg2[%add3A_506] : memref<12582912xf32, #tpu.memory_space<hbm>> -> memref<49152xf32, #tpu.memory_space<hbm>>
    tpu.wait_dma2 semaphore(%arg9 : memref<!tpu.dma_semaphore, #tpu.memory_space<semaphore_mem>>) src(%dma_wait3A_511 : memref<49152xf32, #tpu.memory_space<hbm>>) dst(%dma_wait3A_510 : memref<49152xf32, #tpu.memory_space<vmem_shared>>)
    %add3A_512 = arith.constant 294912 : i32
    %add3A_513 = arith.addi %mul3A_36, %add3A_512 : i32
    %dma_start3A_514 = arith.constant 0 : i32
    %dma_start3A_515 = tpu.memref_slice %arg4[%add3A_513] : memref<12582912xf32, #tpu.memory_space<hbm>> -> memref<49152xf32, #tpu.memory_space<hbm>>
    %dma_start3A_516 = arith.constant 0 : i32
    %dma_start3A_517 = tpu.memref_slice %arg5[%arg1, %dma_start3A_514, %dma_start3A_516] : memref<16x2x49152xf32, #tpu.memory_space<vmem_shared>> -> memref<1x1x49152xf32, #tpu.memory_space<vmem_shared>>
    %dma_start3A_518 = tpu.memref_squeeze %dma_start3A_517 : memref<1x1x49152xf32, #tpu.memory_space<vmem_shared>> -> memref<49152xf32, #tpu.memory_space<vmem_shared>>
    tpu.enqueue_dma source(%dma_start3A_518 : memref<49152xf32, #tpu.memory_space<vmem_shared>>) target(%dma_start3A_515 : memref<49152xf32, #tpu.memory_space<hbm>>) target_semaphore(%arg11 : memref<!tpu.dma_semaphore, #tpu.memory_space<semaphore_mem>>)
    %add3A_519 = arith.constant 344064 : i32
    %add3A_520 = arith.addi %mul3A_36, %add3A_519 : i32
    %dma_wait3A_521 = arith.constant 1 : i32
    %dma_wait3A_522 = arith.constant 0 : i32
    %dma_wait3A_523 = tpu.memref_slice %arg5[%arg1, %dma_wait3A_521, %dma_wait3A_522] : memref<16x2x49152xf32, #tpu.memory_space<vmem_shared>> -> memref<1x1x49152xf32, #tpu.memory_space<vmem_shared>>
    %dma_wait3A_524 = tpu.memref_squeeze %dma_wait3A_523 : memref<1x1x49152xf32, #tpu.memory_space<vmem_shared>> -> memref<49152xf32, #tpu.memory_space<vmem_shared>>
    %dma_wait3A_525 = tpu.memref_slice %arg2[%add3A_520] : memref<12582912xf32, #tpu.memory_space<hbm>> -> memref<49152xf32, #tpu.memory_space<hbm>>
    tpu.wait_dma2 semaphore(%arg10 : memref<!tpu.dma_semaphore, #tpu.memory_space<semaphore_mem>>) src(%dma_wait3A_525 : memref<49152xf32, #tpu.memory_space<hbm>>) dst(%dma_wait3A_524 : memref<49152xf32, #tpu.memory_space<vmem_shared>>)
    %add3A_526 = arith.constant 344064 : i32
    %add3A_527 = arith.addi %mul3A_36, %add3A_526 : i32
    %dma_start3A_528 = arith.constant 1 : i32
    %dma_start3A_529 = tpu.memref_slice %arg4[%add3A_527] : memref<12582912xf32, #tpu.memory_space<hbm>> -> memref<49152xf32, #tpu.memory_space<hbm>>
    %dma_start3A_530 = arith.constant 0 : i32
    %dma_start3A_531 = tpu.memref_slice %arg5[%arg1, %dma_start3A_528, %dma_start3A_530] : memref<16x2x49152xf32, #tpu.memory_space<vmem_shared>> -> memref<1x1x49152xf32, #tpu.memory_space<vmem_shared>>
    %dma_start3A_532 = tpu.memref_squeeze %dma_start3A_531 : memref<1x1x49152xf32, #tpu.memory_space<vmem_shared>> -> memref<49152xf32, #tpu.memory_space<vmem_shared>>
    tpu.enqueue_dma source(%dma_start3A_532 : memref<49152xf32, #tpu.memory_space<vmem_shared>>) target(%dma_start3A_529 : memref<49152xf32, #tpu.memory_space<hbm>>) target_semaphore(%arg12 : memref<!tpu.dma_semaphore, #tpu.memory_space<semaphore_mem>>)
    %add3A_533 = arith.constant 294912 : i32
    %add3A_534 = arith.addi %mul3A_36, %add3A_533 : i32
    %dma_wait3A_535 = arith.constant 0 : i32
    %dma_wait3A_536 = tpu.memref_slice %arg4[%add3A_534] : memref<12582912xf32, #tpu.memory_space<hbm>> -> memref<49152xf32, #tpu.memory_space<hbm>>
    %dma_wait3A_537 = arith.constant 0 : i32
    %dma_wait3A_538 = tpu.memref_slice %arg5[%arg1, %dma_wait3A_535, %dma_wait3A_537] : memref<16x2x49152xf32, #tpu.memory_space<vmem_shared>> -> memref<1x1x49152xf32, #tpu.memory_space<vmem_shared>>
    %dma_wait3A_539 = tpu.memref_squeeze %dma_wait3A_538 : memref<1x1x49152xf32, #tpu.memory_space<vmem_shared>> -> memref<49152xf32, #tpu.memory_space<vmem_shared>>
    tpu.wait_dma2 semaphore(%arg11 : memref<!tpu.dma_semaphore, #tpu.memory_space<semaphore_mem>>) src(%dma_wait3A_539 : memref<49152xf32, #tpu.memory_space<vmem_shared>>) dst(%dma_wait3A_536 : memref<49152xf32, #tpu.memory_space<hbm>>)
    %add3A_540 = arith.constant 344064 : i32
    %add3A_541 = arith.addi %mul3A_36, %add3A_540 : i32
    %dma_wait3A_542 = arith.constant 1 : i32
    %dma_wait3A_543 = tpu.memref_slice %arg4[%add3A_541] : memref<12582912xf32, #tpu.memory_space<hbm>> -> memref<49152xf32, #tpu.memory_space<hbm>>
    %dma_wait3A_544 = arith.constant 0 : i32
    %dma_wait3A_545 = tpu.memref_slice %arg5[%arg1, %dma_wait3A_542, %dma_wait3A_544] : memref<16x2x49152xf32, #tpu.memory_space<vmem_shared>> -> memref<1x1x49152xf32, #tpu.memory_space<vmem_shared>>
    %dma_wait3A_546 = tpu.memref_squeeze %dma_wait3A_545 : memref<1x1x49152xf32, #tpu.memory_space<vmem_shared>> -> memref<49152xf32, #tpu.memory_space<vmem_shared>>
    tpu.wait_dma2 semaphore(%arg12 : memref<!tpu.dma_semaphore, #tpu.memory_space<semaphore_mem>>) src(%dma_wait3A_546 : memref<49152xf32, #tpu.memory_space<vmem_shared>>) dst(%dma_wait3A_543 : memref<49152xf32, #tpu.memory_space<hbm>>)
    %run_scoped3A = arith.constant 0 : i32
    "tpu.region"() ({
      %run_scoped3A_549 = tpu.sem_alloc : memref<!tpu.dma_semaphore, #tpu.memory_space<semaphore_mem>>
      %dma_start3A_550 = arith.constant 0 : i32
      %dma_start3A_551 = tpu.memref_slice %arg7[%run_scoped3A, %dma_start3A_550] : memref<3x128xi32, #tpu.memory_space<vmem>> -> memref<1x128xi32, #tpu.memory_space<vmem>>
      %dma_start3A_552 = tpu.memref_squeeze %dma_start3A_551 : memref<1x128xi32, #tpu.memory_space<vmem>> -> memref<128xi32, #tpu.memory_space<vmem>>
      %dma_start3A_553 = arith.constant 0 : i32
      %dma_start3A_554 = tpu.memref_slice %arg4[%dma_start3A_553] : memref<12582912xf32, #tpu.memory_space<hbm>> -> memref<12582912xf32, #tpu.memory_space<hbm>>
      tpu.enqueue_indirect_dma source(%arg8 : memref<128xf32, #tpu.memory_space<vmem>>) target(%dma_start3A_554 : memref<12582912xf32, #tpu.memory_space<hbm>>) offsets(%dma_start3A_552 : memref<128xi32, #tpu.memory_space<vmem>>) semaphore(%run_scoped3A_549 : memref<!tpu.dma_semaphore, #tpu.memory_space<semaphore_mem>>)
      %dma_wait3A_555 = arith.constant 0 : i32
      %dma_wait3A_556 = tpu.memref_slice %arg7[%run_scoped3A, %dma_wait3A_555] : memref<3x128xi32, #tpu.memory_space<vmem>> -> memref<1x128xi32, #tpu.memory_space<vmem>>
      %dma_wait3A_557 = tpu.memref_squeeze %dma_wait3A_556 : memref<1x128xi32, #tpu.memory_space<vmem>> -> memref<128xi32, #tpu.memory_space<vmem>>
      %dma_wait3A_558 = arith.constant 0 : i32
      %dma_wait3A_559 = tpu.memref_slice %arg4[%dma_wait3A_558] : memref<12582912xf32, #tpu.memory_space<hbm>> -> memref<12582912xf32, #tpu.memory_space<hbm>>
      tpu.wait_indirect_dma semaphore(%run_scoped3A_549 : memref<!tpu.dma_semaphore, #tpu.memory_space<semaphore_mem>>) src(%arg8 : memref<128xf32, #tpu.memory_space<vmem>>) dst(%dma_wait3A_559 : memref<12582912xf32, #tpu.memory_space<hbm>>)
      tpu.yield
    }) : () -> ()
    %run_scoped3A_547 = arith.constant 1 : i32
    "tpu.region"() ({
      %run_scoped3A_549 = tpu.sem_alloc : memref<!tpu.dma_semaphore, #tpu.memory_space<semaphore_mem>>
      %dma_start3A_550 = arith.constant 0 : i32
      %dma_start3A_551 = tpu.memref_slice %arg7[%run_scoped3A_547, %dma_start3A_550] : memref<3x128xi32, #tpu.memory_space<vmem>> -> memref<1x128xi32, #tpu.memory_space<vmem>>
      %dma_start3A_552 = tpu.memref_squeeze %dma_start3A_551 : memref<1x128xi32, #tpu.memory_space<vmem>> -> memref<128xi32, #tpu.memory_space<vmem>>
      %dma_start3A_553 = arith.constant 0 : i32
      %dma_start3A_554 = tpu.memref_slice %arg4[%dma_start3A_553] : memref<12582912xf32, #tpu.memory_space<hbm>> -> memref<12582912xf32, #tpu.memory_space<hbm>>
      tpu.enqueue_indirect_dma source(%arg8 : memref<128xf32, #tpu.memory_space<vmem>>) target(%dma_start3A_554 : memref<12582912xf32, #tpu.memory_space<hbm>>) offsets(%dma_start3A_552 : memref<128xi32, #tpu.memory_space<vmem>>) semaphore(%run_scoped3A_549 : memref<!tpu.dma_semaphore, #tpu.memory_space<semaphore_mem>>)
      %dma_wait3A_555 = arith.constant 0 : i32
      %dma_wait3A_556 = tpu.memref_slice %arg7[%run_scoped3A_547, %dma_wait3A_555] : memref<3x128xi32, #tpu.memory_space<vmem>> -> memref<1x128xi32, #tpu.memory_space<vmem>>
      %dma_wait3A_557 = tpu.memref_squeeze %dma_wait3A_556 : memref<1x128xi32, #tpu.memory_space<vmem>> -> memref<128xi32, #tpu.memory_space<vmem>>
      %dma_wait3A_558 = arith.constant 0 : i32
      %dma_wait3A_559 = tpu.memref_slice %arg4[%dma_wait3A_558] : memref<12582912xf32, #tpu.memory_space<hbm>> -> memref<12582912xf32, #tpu.memory_space<hbm>>
      tpu.wait_indirect_dma semaphore(%run_scoped3A_549 : memref<!tpu.dma_semaphore, #tpu.memory_space<semaphore_mem>>) src(%arg8 : memref<128xf32, #tpu.memory_space<vmem>>) dst(%dma_wait3A_559 : memref<12582912xf32, #tpu.memory_space<hbm>>)
      tpu.yield
    }) : () -> ()
    %run_scoped3A_548 = arith.constant 2 : i32
    "tpu.region"() ({
      %run_scoped3A_549 = tpu.sem_alloc : memref<!tpu.dma_semaphore, #tpu.memory_space<semaphore_mem>>
      %dma_start3A_550 = arith.constant 0 : i32
      %dma_start3A_551 = tpu.memref_slice %arg7[%run_scoped3A_548, %dma_start3A_550] : memref<3x128xi32, #tpu.memory_space<vmem>> -> memref<1x128xi32, #tpu.memory_space<vmem>>
      %dma_start3A_552 = tpu.memref_squeeze %dma_start3A_551 : memref<1x128xi32, #tpu.memory_space<vmem>> -> memref<128xi32, #tpu.memory_space<vmem>>
      %dma_start3A_553 = arith.constant 0 : i32
      %dma_start3A_554 = tpu.memref_slice %arg4[%dma_start3A_553] : memref<12582912xf32, #tpu.memory_space<hbm>> -> memref<12582912xf32, #tpu.memory_space<hbm>>
      tpu.enqueue_indirect_dma source(%arg8 : memref<128xf32, #tpu.memory_space<vmem>>) target(%dma_start3A_554 : memref<12582912xf32, #tpu.memory_space<hbm>>) offsets(%dma_start3A_552 : memref<128xi32, #tpu.memory_space<vmem>>) semaphore(%run_scoped3A_549 : memref<!tpu.dma_semaphore, #tpu.memory_space<semaphore_mem>>)
      %dma_wait3A_555 = arith.constant 0 : i32
      %dma_wait3A_556 = tpu.memref_slice %arg7[%run_scoped3A_548, %dma_wait3A_555] : memref<3x128xi32, #tpu.memory_space<vmem>> -> memref<1x128xi32, #tpu.memory_space<vmem>>
      %dma_wait3A_557 = tpu.memref_squeeze %dma_wait3A_556 : memref<1x128xi32, #tpu.memory_space<vmem>> -> memref<128xi32, #tpu.memory_space<vmem>>
      %dma_wait3A_558 = arith.constant 0 : i32
      %dma_wait3A_559 = tpu.memref_slice %arg4[%dma_wait3A_558] : memref<12582912xf32, #tpu.memory_space<hbm>> -> memref<12582912xf32, #tpu.memory_space<hbm>>
      tpu.wait_indirect_dma semaphore(%run_scoped3A_549 : memref<!tpu.dma_semaphore, #tpu.memory_space<semaphore_mem>>) src(%arg8 : memref<128xf32, #tpu.memory_space<vmem>>) dst(%dma_wait3A_559 : memref<12582912xf32, #tpu.memory_space<hbm>>)
      tpu.yield
    }) : () -> ()
    return
  }
}

</mosaic_0001>

<sc_bundles>
// kernel: kernel.3.cloned.1.call-start
scs
__scs_entry_jumppad:
0x0: {  	(pc) =	sbr.rel $0x88, $3  }
0x1: {  	(tag) =	ssettag $0x0;
	lr =	simm.s32 $0x1  }
0x2: {  	[smem:$0x3F9F] =	sst lr;
	_ =	strace $0xD0000000  }
0x3: {  	_ = 	snop  }
0x4: {  	_ = 	snop  }
0x5: {  	_ = 	snop  }
0x6: {  	_ = 	snop  }
0x7: {  	_ = 	snop  }
__scs_overlays_trampoline_lowered:
0x8: {  	[smem:$0x3FAE] =	sst s0  }
0x9: {  	[smem:$0x3FAF] =	sst s1  }
0xa: {  	[smem:$0x3FB0] =	sst s2  }
0xb: {  	[smem:$0x3FB1] =	sst s3  }
0xc: {  	[smem:$0x3FB2] =	sst s4  }
0xd: {  	[smem:$0x3FB3] =	sst s5  }
0xe: {  	[smem:$0x3FB4] =	sst s6  }
0xf: {  	[smem:$0x3FB5] =	sst s7  }
0x10: {  	[smem:$0x3FB6] =	sst s8  }
0x11: {  	[smem:$0x3FB7] =	sst s9;
	s0 =	simm.s32 @!p0 $0x0  }
0x12: {  	s1 =	sld [smem:$0x3F9D];
	s0 =	simm.s32 @p0 $0x1  }
0x13: {  	[smem:$0x3FB8] =	sst s0;
	s0 =	simm.s32 @!p1 $0x0  }
0x14: {  	s2 =	sld [smem:$0x3F9C];
	s0 =	simm.s32 @p1 $0x1  }
0x15: {  	[smem:$0x3FB9] =	sst s0;
	s0 =	simm.s32 @!p2 $0x0  }
0x16: {  	s3 =	sld [smem:$0x3FDB];
	s0 =	simm.s32 @p2 $0x1  }
0x17: {  	s4 =	simm.s32 $0x1BF5;
	[smem:$0x3FBB] =	sst s0  }
0x18: {  	s0 =	sld [smem:$0x3F9E];
	_ =	swait.ge [sflag:s4], $0x0  }
0x19: {  	s7 =	sld [smem:$0x3F9F]  }
0x1a: {  	s8 =	sadd.s32 $0xFFFFE003, lr  }
0x1b: {  	s9 =	sadd.s32 $0xFFFFFEF7, lr;
	s5 =	simm.s32 $0xFFFFFFFF;
	p2 =	slt.u32 s8, $0xFFFFF086  }
0x1c: {  	p1 =	slt.u32 s9, $0xF7A;
	s5 =	simm.s32 @!p2 $0x0  }
0x1d: {  	s5 =	simm.s32 @p1 $0x1;
	p0 =	seq.s32 s7, s2  }
0x1e: {  	s7 =	smul.u32 @!p0 $0xF7A, s2;
	p2 =	seq.s32 @!p0 s5, $0x0  }
0x1f: {  	s9 =	smul.u32 $0xF7A, s1;
	s8 =	simm.s32 @!p0 $0x1BF5;
	p2 =	por !p2, p0  }
0x20: {  	[sflag:s8] =	ssyncset.s32 @!p0 $0xFFFFF086;
	s6 =	sadd.s32 @!p0 s3, s7;
	s7 =	simm.s32 @!p0 $0x108  }
0x21: {  	s3 =	sadd.s32 s3, s9;
	s6 =	sadd.s32 @!p0 $0x88, s6;
	s7 =	simm.s32 @p2 $0x1082  }
0x22: {  	[simem:s7], [sflag:s8] =	dma.local @!p0 [hbm:s6], $0xF7A  }
0x23: {  	s9 =	sor.u32 $0xD0000000, s2;
	s6 =	simm.s32 $0x108;
	_ =	swait.ge @!p0 [sflag:s8], $0x0  }
0x24: {  	s3 =	sadd.s32 $0x88, s3;
	s6 =	simm.s32 @!p1 $0x1082;
	[sflag:s4] =	ssyncset.s32 $0xFFFFF086  }
0x25: {  	[simem:s6], [sflag:s4] =	dma.local [hbm:s3], $0xF7A  }
0x26: {  	[smem:$0x3F9F] =	sst s1;
	(tag) =	ssettag s2;
	_ =	strace s9  }
0x27: {  	s1 =	sld [smem:$0x3FAF]  }
0x28: {  	s2 =	sld [smem:$0x3FB0]  }
0x29: {  	s4 =	sld [smem:$0x3FB2]  }
0x2a: {  	p0 =	seq.s32 s5, $0x0;
	s5 =	sld [smem:$0x3FB3]  }
0x2b: {  	s6 =	sld [smem:$0x3FB4]  }
0x2c: {  	s7 =	sld [smem:$0x3FB5]  }
0x2d: {  	s3 =	simm.s32 $0x108;
	s8 =	sld [smem:$0x3FB6]  }
0x2e: {  	s3 =	simm.s32 @!p0 $0x1082;
	s9 =	sld [smem:$0x3FB7]  }
0x2f: {  	lr =	sadd.s32 s0, s3;
	s0 =	sld [smem:$0x3FAE]  }
0x30: {  	s3 =	sld [smem:$0x3FB1]  }
0x31: {  	[smem:$0x3FBA] =	sst s10  }
0x32: {  	s10 =	sld [smem:$0x3FB8];
	_ =	sdelay $0x3  }
0x33: {  	p0 =	seq.s32 s10, $0x1;
	s10 =	sld [smem:$0x3FBA];
	_ =	sdelay $0x3  }
0x34: {  	[smem:$0x3FBA] =	sst s10  }
0x35: {  	s10 =	sld [smem:$0x3FB9];
	_ =	sdelay $0x3  }
0x36: {  	p1 =	seq.s32 s10, $0x1;
	s10 =	sld [smem:$0x3FBA];
	_ =	sdelay $0x3  }
0x37: {  	[smem:$0x3FBA] =	sst s10  }
0x38: {  	s10 =	sld [smem:$0x3FBB]  }
0x39: {  	_ = 	snop;
	(pc) =	sbr.ind lr, $3  }
0x3a: {  	_ = 	snop  }
0x3b: {  	_ = 	snop  }
0x3c: {  	p2 =	seq.s32 s10, $0x1;
	s10 =	sld [smem:$0x3FBA]  }
0x3d: {  	_ =	shalt  }
0x3e: {  	_ =	shalt  }
0x3f: {  	_ =	shalt  }
0x40: {  	_ =	shalt  }
0x41: {  	_ =	shalt  }
0x42: {  	_ =	shalt  }
0x43: {  	_ =	shalt  }
0x44: {  	_ =	shalt  }
0x45: {  	_ =	shalt  }
0x46: {  	_ =	shalt  }
0x47: {  	_ =	shalt  }
0x48: {  	_ =	shalt  }
0x49: {  	_ =	shalt  }
0x4a: {  	_ =	shalt  }
0x4b: {  	_ =	shalt  }
0x4c: {  	_ =	shalt  }
0x4d: {  	_ =	shalt  }
0x4e: {  	_ =	shalt  }
0x4f: {  	_ =	shalt  }
0x50: {  	_ =	shalt  }
0x51: {  	_ =	shalt  }
0x52: {  	_ =	shalt  }
0x53: {  	_ =	shalt  }
0x54: {  	_ =	shalt  }
0x55: {  	_ =	shalt  }
0x56: {  	_ =	shalt  }
0x57: {  	_ =	shalt  }
0x58: {  	_ =	shalt  }
0x59: {  	_ =	shalt  }
0x5a: {  	_ =	shalt  }
0x5b: {  	_ =	shalt  }
0x5c: {  	_ =	shalt  }
0x5d: {  	_ =	shalt  }
0x5e: {  	_ =	shalt  }
0x5f: {  	_ =	shalt  }
0x60: {  	_ =	shalt  }
0x61: {  	_ =	shalt  }
0x62: {  	_ =	shalt  }
0x63: {  	_ =	shalt  }
0x64: {  	_ =	shalt  }
0x65: {  	_ =	shalt  }
0x66: {  	_ =	shalt  }
0x67: {  	_ =	shalt  }
0x68: {  	_ =	shalt  }
0x69: {  	_ =	shalt  }
0x6a: {  	_ =	shalt  }
0x6b: {  	_ =	shalt  }
0x6c: {  	_ =	shalt  }
0x6d: {  	_ =	shalt  }
0x6e: {  	_ =	shalt  }
0x6f: {  	_ =	shalt  }
0x70: {  	_ =	shalt  }
0x71: {  	_ =	shalt  }
0x72: {  	_ =	shalt  }
0x73: {  	_ =	shalt  }
0x74: {  	_ =	shalt  }
0x75: {  	_ =	shalt  }
0x76: {  	_ =	shalt  }
0x77: {  	_ =	shalt  }
0x78: {  	_ =	shalt  }
0x79: {  	_ =	shalt  }
0x7a: {  	_ =	shalt  }
0x7b: {  	_ =	shalt  }
0x7c: {  	_ =	shalt  }
0x7d: {  	_ =	shalt  }
0x7e: {  	_ =	shalt  }
0x7f: {  	_ =	shalt  }
0x80: {  	_ =	shalt  }
0x81: {  	_ =	shalt  }
0x82: {  	_ =	shalt  }
0x83: {  	_ =	shalt  }
0x84: {  	_ =	shalt  }
0x85: {  	_ =	shalt  }
0x86: {  	_ =	shalt  }
0x87: {  	_ =	shalt  }
.Lfunc_end0:
.L_simem_size_0:
called_computation.1_lowered:
.L_overlay_start_0:
0x88: {  	s2 =	sld [smem:$0x3FD9]  }
0x89: {  	s3 =	sld [smem:$0x3FFE];
	_ =	sdelay $0x1  }
0x8a: {  	s1 =	srdreg.scid  }
0x8b: {  	s0 =	sand.u32 $0x1, s1  }
0x8c: {  	s17 =	sshll.u32 s0, $0xA;
	s2 =	sadd.s32 s3, s2  }
0x8d: {  	s2 =	sadd.s32 s2, s17  }
0x8e: {  	[smem:$0x3FC6] =	sst s2  }
0x8f: {  	_ = 	snop  }
0x90: {  	s2 =	sld [smem:$0x3FC8]  }
0x91: {  	s18 =	sld [smem:$0x3FD0];
	(tm) =	ssettm $0x1  }
0x92: {  	s4 =	sld [smem:$0x3FFB];
	_ =	sdelay $0x3  }
0x93: {  	_ =	strace s4  }
0x94: {  	s4 =	sld [smem:$0x3FFC];
	_ =	sdelay $0x3  }
0x95: {  	_ =	strace s4  }
0x96: {  	s4 =	sld [smem:$0x3FFD];
	_ =	sdelay $0x3  }
0x97: {  	_ =	strace s4  }
0x98: {  	_ =	strace $0x8FFFFFFF  }
0x99: {  	s19 =	sld [smem:$0x3FDB];
	_ =	sdelay $0x1  }
0x9a: {  	s5 =	simm.s32 $_scs_section_size  }
0x9b: {  	s6 =	simm.s32 $_size__tile_overlayer_lowered;
	s7 =	simm.s32 $_tile_overlayer_lowered  }
0x9c: {  	s22 =	simm.s32 $0x1BFF;
	s21 =	sshll.u32 s7, $0x1;
	s4 =	sadd.s32 s5, s19  }
0x9d: {  	s8 =	simm.s32 $0x0;
	s20 =	sshll.u32 s6, $0x1;
	s6 =	sadd.s32 s21, s4  }
0x9e: {  	[timem:s8], [sflag:s22] =	dma.local [hbm:s6], s20  }
0x9f: {  	_ =	swait.ge [sflag:s22], s20  }
0xa0: {  	s5 =	ssub.s32 $0x0, s20;
	[sflag:s22] =	ssyncset.done $0x0  }
0xa1: {  	[sflag:s22] =	ssyncadd.s32 s5;
	_ =	sdelay $0x1  }
0xa2: {  	s23 =	simm.s32 $0x1B8B  }
0xa3: {  	_ =	swait.ge [sflag:s23], $0x1  }
0xa4: {  	[sflag:s23] =	ssyncset.done $0x0  }
0xa5: {  	s25 =	simm.s32 $0x1B8E;
	s24 =	sld [smem:$0x3FFE];
	[sflag:s23] =	ssyncadd.s32 $0xFFFFFFFF  }
0xa6: {  	s26 =	simm.s32 $execute0_lowered;
	[smem:$0x3FD2] =	sst s25  }
0xa7: {  	s6 =	sshll.u32 s26, $0x1;
	_ =	strace $0x80000046;
	[dreg:$0x1] =	wrdreg $0xFFFFFFFF  }
0xa8: {  	s28 =	simm.s32 $_size_execute0_lowered;
	s4 =	sadd.s32 s4, s6;
	[dreg:$0x0] =	wrdreg $0x0  }
0xa9: {  	s6 =	sshll.u32 s28, $0x1;
	[dreg:$0x2] =	wrdreg s4  }
0xaa: {  	[dreg:$0x3] =	wrdreg s6  }
0xab: {  	[dreg:$0x4] =	wrdreg $0xC0  }
0xac: {  	_ =	task [dreg:s8], $0x5FFFF  }
0xad: {  	[dreg:$0x1] =	wrdreg $0xFFFFFFFF  }
0xae: {  	[dreg:$0x0] =	wrdreg $0x60  }
0xaf: {  	[dreg:$0x2] =	wrdreg s18  }
0xb0: {  	[dreg:$0x3] =	wrdreg s2  }
0xb1: {  	[dreg:$0x4] =	wrdreg s24  }
0xb2: {  	[dreg:$0x5] =	wrdreg $0x0  }
0xb3: {  	[dreg:$0x6] =	wrdreg $0x9  }
0xb4: {  	_ =	task.clear_ibuf [dreg:s8], $0x7FFFF;
	_ =	strace $0x90000046  }
0xb5: {  	s29 =	simm.s32 $0x9;
	_ =	strace $0x80000048  }
0xb6: {  	_ =	swait.ge [sflag:s29], $0x1  }
0xb7: {  	[sflag:s29] =	ssyncadd.s32 $0xFFFFFFFF  }
0xb8: {  	_ =	strace $0x90000048  }
0xb9: {  	_ =	sfence  }
0xba: {  	s30 =	sld [smem:$0x0];
	_ =	sdelay $0x2  }
0xbb: {  	s31 =	sshll.u32 s1, $0xD;
	s1 =	sshrl.u32 s1, $0x2  }
0xbc: {  	s3 =	sand.u32 $0x4000, s31;
	s1 =	sadd.s32 s1, s30  }
0xbd: {  	s0 =	sor.u32 s3, s0;
	s1 =	sshll.u32 s1, $0x11  }
0xbe: {  	s0 =	sor.u32 s1, s0  }
0xbf: {  	s0 =	sadd.s32 $0x8F2B, s0  }
0xc0: {  	[sflag:s0] =	ssyncadd.remote.s32 $0x1  }
0xc1: {  	_ =	sfence.sel $0xFFFF  }
0xc2: {  	[dreg:$0x0] =	wrdreg $0xFFFFFFFF;
	(pc) =	sbr.abs _section_cstart, $3  }
0xc3: {  	[dreg:$0x1] =	wrdreg $0xFFFFFFFF  }
0xc4: {  	_ =	task.clear_ibuf [dreg:s8], $0x2FFFF;
	_ =	strace $0x9FFFFFFF  }
0xc5: {  	(tm) =	ssettm $0x7FFFFFFF  }
tec
execute0_lowered:
.L_overlay_start_1:
0x0: {  	(tag) =	ssettag $0x1  }
0x1: {  	s18 =	rddreg [dreg:$0x0]  }
0x2: {  	s0 =	rddreg [dreg:$0x1];
	s1 =	srdreg.scid  }
0x3: {  	[dreg:$0x5] =	wrdreg s0;
	s0 =	stileid.u32  }
0x4: {  	s2 =	rddreg [dreg:$0x2];
	s20 =	sand.u32 $0x1, s1;
	s14 =	sshll.u32 s0, $0x1  }
0x5: {  	s6 =	rddreg [dreg:$0x3];
	s3 =	simm.s32 $0x0;
	s4 =	sor.u32 s20, s14  }
0x6: {  	[smem:$0x7FF] =	sst s3;
	s7 =	smul.u32 $0x60000, s4  }
0x7: {  	s1 =	rddreg [dreg:$0x4];
	s2 =	sadd.s32 $0x800, s2;
	_ =	strace $0x80000047  }
0x8: {  	s24 =	rddreg [dreg:$0x5];
	s11 =	sor.u32 $0xC000, s7;
	s5 =	sshrl.u32 s7, $0x3  }
0x9: {  	s12 =	sor.u32 $0x18000, s7;
	s8 =	sadd.s32 s18, s5;
	s9 =	sshrl.u32 s11, $0x3  }
0xa: {  	s5 =	sadd.s32 s2, s5;
	s13 =	sshrl.u32 s12, $0x3;
	[dreg:$0x6] =	wrdreg s8  }
0xb: {  	s15 =	sadd.s32 s18, s9;
	s8 =	sadd.s32 $0x24000, s7;
	[dreg:$0x8] =	wrdreg s5  }
0xc: {  	s16 =	sadd.s32 s18, s13;
	s17 =	sadd.s32 s2, s9;
	[dreg:$0x7] =	wrdreg s15  }
0xd: {  	s5 =	simm.s32 $0x18000;
	[dreg:$0x9] =	wrdreg s16;
	s14 =	sshrl.u32 s8, $0x3  }
0xe: {  	[tilespmem:s5], [sflag:$0x5] =	stream.linear.gather [hbm4b:s24+s3], $0x80, $0x38;
	[tilespmem:$0x18300] =	vst v63  }
0xf: {  	s10 =	sadd.s32 $0x30000, s7;
	[dreg:$0xa] =	wrdreg s17;
	s19 =	sadd.s32 s18, s14  }
0x10: {  	s21 =	sadd.s32 s2, s13;
	[dreg:$0xb] =	wrdreg s19;
	s19 =	sshrl.u32 s10, $0x3  }
0x11: {  	s9 =	sadd.s32 $0x3C000, s7;
	[dreg:$0xc] =	wrdreg s21;
	s22 =	sadd.s32 s18, s19  }
0x12: {  	s23 =	sadd.s32 s2, s14;
	[dreg:$0xd] =	wrdreg s22;
	s22 =	sshrl.u32 s9, $0x3  }
0x13: {  	v0 =	vmov s4;
	[dreg:$0xe] =	wrdreg s23;
	s25 =	sadd.s32 s18, s22  }
0x14: {  	s4 =	simm.s32 $0x5;
	[dreg:$0xf] =	wrdreg s25  }
0x15: {  	_ =	swait.ge [sflag:s4], $0x80  }
0x16: {  	[sflag:s4] =	ssyncset.done $0x0  }
0x17: {  	v1 =	vimm.f32 $0.0e+00;
	[sflag:s4] =	ssyncadd.s32 $0xFFFFFF80  }
0x18: {  	v4 =	vld.idx.msk [tilespmem:v0+s5+$0x0], $0xffff;
	[tilespmem:$0x182E0] =	vst v1  }
0x19: {  	[tilespmem:$0x182D0] =	vst v1  }
0x1a: {  	[tilespmem:$0x182C0] =	vst v1  }
0x1b: {  	v2 =	vlaneseq.u32;
	[tilespmem:$0x182B0] =	vst v1  }
0x1c: {  	v2 =	vmul.u32 $0x400, v2;
	[tilespmem:$0x182A0] =	vst v1  }
0x1d: {  	[tilespmem:$0x18290] =	vst v1  }
0x1e: {  	v3 =	vmov s7;
	s26 =	sadd.s32 $0x5C000, s7;
	[tilespmem:$0x18280] =	vst v1;
	v27 =	vadd.s32 v2, v4  }
0x1f: {  	s31 =	sor.u32 $0x4000, s7;
	[tilespmem:$0x182F0] =	vst v1;
	v4 =	vmov s26;
	v6 =	vadd.s32 v3, v27  }
0x20: {  	v5 =	vmov s31;
	s15 =	sor.u32 $0x10000, s7;
	v7 =	vadd.s32 v4, v27;
	[tilespmem:$0x18080] =	vst v6  }
0x21: {  	s16 =	sadd.s32 $0x2C000, s7;
	v8 =	vadd.s32 v5, v27;
	v6 =	vmov s15;
	[tilespmem:$0x181F0] =	vst v7  }
0x22: {  	s17 =	sor.u32 $0x8000, s7;
	v7 =	vmov s16;
	[tilespmem:$0x18090] =	vst v8;
	v9 =	vadd.s32 v6, v27  }
0x23: {  	s21 =	sadd.s32 $0x34000, s7;
	v8 =	vmov s17;
	v10 =	vadd.s32 v7, v27;
	[tilespmem:$0x180C0] =	vst v9  }
0x24: {  	s23 =	sadd.s32 $0x40000, s7;
	v11 =	vadd.s32 v8, v27;
	v9 =	vmov s21;
	[tilespmem:$0x18130] =	vst v10  }
0x25: {  	s24 =	sadd.s32 $0x4C000, s7;
	v10 =	vmov s23;
	[tilespmem:$0x180A0] =	vst v11;
	v12 =	vadd.s32 v9, v27  }
0x26: {  	s25 =	sadd.s32 $0x58000, s7;
	v11 =	vmov s24;
	v13 =	vadd.s32 v10, v27;
	[tilespmem:$0x18150] =	vst v12  }
0x27: {  	v14 =	vadd.s32 v11, v27;
	v12 =	vmov s25;
	[tilespmem:$0x18180] =	vst v13  }
0x28: {  	v13 =	vmov s12;
	[tilespmem:$0x181B0] =	vst v14;
	v15 =	vadd.s32 v12, v27  }
0x29: {  	s23 =	sadd.s32 $0x54000, s7;
	v14 =	vmov s11;
	v16 =	vadd.s32 v13, v27;
	[tilespmem:$0x181E0] =	vst v15  }
0x2a: {  	s26 =	sadd.s32 $0x50000, s7;
	v17 =	vadd.s32 v14, v27;
	v15 =	vmov s23;
	[tilespmem:$0x180E0] =	vst v16  }
0x2b: {  	s21 =	sadd.s32 $0x48000, s7;
	v16 =	vmov s26;
	[tilespmem:$0x180B0] =	vst v17;
	v18 =	vadd.s32 v15, v27  }
0x2c: {  	s31 =	sadd.s32 $0x44000, s7;
	v17 =	vmov s21;
	v19 =	vadd.s32 v16, v27;
	[tilespmem:$0x181D0] =	vst v18  }
0x2d: {  	v20 =	vadd.s32 v17, v27;
	v18 =	vmov s31;
	[tilespmem:$0x181C0] =	vst v19  }
0x2e: {  	s12 =	sor.u32 $0x1C000, s7;
	v19 =	vmov s10;
	[tilespmem:$0x181A0] =	vst v20;
	v21 =	vadd.s32 v18, v27  }
0x2f: {  	s13 =	sor.u32 $0x14000, s7;
	v20 =	vmov s12;
	v22 =	vadd.s32 v19, v27;
	[tilespmem:$0x18190] =	vst v21  }
0x30: {  	s14 =	sadd.s32 $0x28000, s7;
	v23 =	vadd.s32 v20, v27;
	v21 =	vmov s13;
	[tilespmem:$0x18140] =	vst v22  }
0x31: {  	v22 =	vmov s14;
	[tilespmem:$0x180F0] =	vst v23;
	v24 =	vadd.s32 v21, v27  }
0x32: {  	s15 =	smul.u32 $0x60000, s0;
	v23 =	vmov s9;
	v25 =	vadd.s32 v22, v27;
	[tilespmem:$0x180D0] =	vst v24  }
0x33: {  	s16 =	sadd.s32 $0x38000, s7;
	v26 =	vadd.s32 v23, v27;
	v24 =	vmov s8;
	[tilespmem:$0x18120] =	vst v25  }
0x34: {  	s17 =	sshrl.u32 s15, $0x2;
	s7 =	sadd.s32 $0x20000, s7;
	v25 =	vmov s16;
	[tilespmem:$0x18170] =	vst v26;
	v28 =	vadd.s32 v24, v27  }
0x35: {  	s24 =	sadd.s32 s17, s6;
	s6 =	simm.s32 $0x1;
	s17 =	sshll.u32 s0, $0x6;
	v26 =	vmov s7;
	v29 =	vadd.s32 v25, v27;
	[tilespmem:$0x18110] =	vst v28  }
0x36: {  	s25 =	rddreg [dreg:$0x6];
	s12 =	sor.u32 $0x1C01, s17;
	s10 =	sadd.s32 $0x80, s24;
	v27 =	vadd.s32 v26, v27;
	[tilespmem:$0x18160] =	vst v29  }
0x37: {  	s9 =	sshrl.u32 s24, $0x3;
	s7 =	simm.s32 $0x20;
	s8 =	simm.s32 $0x10;
	[tilespmem:$0x18100] =	vst v27  }
0x38: {  	[spmem:s9@s7], [sflag:s12] =	dma.strided [hbm:s25@s8], $0x1800, s6, $0x10   }
0x39: {  	s10 =	sshrl.u32 s10, $0x3;
	s13 =	sor.u32 $0x1C02, s17;
	s11 =	rddreg [dreg:$0x7]  }
0x3a: {  	[spmem:s10@s7], [sflag:s13] =	dma.strided [hbm:s11@s8], $0x1800, s6, $0x10   }
0x3b: {  	_ =	swait.ge [sflag:s6], $0x1800  }
0x3c: {  	s14 =	sor.u32 $0x1C03, s17;
	[sflag:s6] =	ssyncset.done $0x0  }
0x3d: {  	s11 =	simm.s32 $0x3;
	s15 =	rddreg [dreg:$0x8];
	[sflag:s6] =	ssyncadd.s32 $0xFFFFE800  }
0x3e: {  	[hbm:s15@s8], [sflag:s14] =	dma.strided [spmem:s9@s7], $0x1800, s6, $0x10   }
0x3f: {  	_ =	swait.ge [sflag:s11], $0x1800  }
0x40: {  	[sflag:s11] =	ssyncset.done $0x0  }
0x41: {  	s16 =	simm.s32 $0x2;
	s26 =	rddreg [dreg:$0x9];
	[sflag:s11] =	ssyncadd.s32 $0xFFFFE800  }
0x42: {  	[spmem:s9@s7], [sflag:s12] =	dma.strided [hbm:s26@s8], $0x1800, s6, $0x10   }
0x43: {  	_ =	swait.ge [sflag:s16], $0x1800  }
0x44: {  	s17 =	sor.u32 $0x1C04, s17;
	[sflag:s16] =	ssyncset.done $0x0  }
0x45: {  	s15 =	simm.s32 $0x4;
	s24 =	rddreg [dreg:$0xa];
	[sflag:s16] =	ssyncadd.s32 $0xFFFFE800  }
0x46: {  	[hbm:s24@s8], [sflag:s17] =	dma.strided [spmem:s10@s7], $0x1800, s6, $0x10   }
0x47: {  	_ =	swait.ge [sflag:s15], $0x1800  }
0x48: {  	[sflag:s15] =	ssyncset.done $0x0  }
0x49: {  	s31 =	rddreg [dreg:$0xb];
	[sflag:s15] =	ssyncadd.s32 $0xFFFFE800  }
0x4a: {  	[spmem:s10@s7], [sflag:s13] =	dma.strided [hbm:s31@s8], $0x1800, s6, $0x10   }
0x4b: {  	_ =	swait.ge [sflag:s6], $0x1800  }
0x4c: {  	[sflag:s6] =	ssyncset.done $0x0  }
0x4d: {  	s25 =	rddreg [dreg:$0xc];
	[sflag:s6] =	ssyncadd.s32 $0xFFFFE800  }
0x4e: {  	[hbm:s25@s8], [sflag:s14] =	dma.strided [spmem:s9@s7], $0x1800, s6, $0x10   }
0x4f: {  	_ =	swait.ge [sflag:s11], $0x1800  }
0x50: {  	[sflag:s11] =	ssyncset.done $0x0  }
0x51: {  	s26 =	rddreg [dreg:$0xd];
	[sflag:s11] =	ssyncadd.s32 $0xFFFFE800  }
0x52: {  	[spmem:s9@s7], [sflag:s12] =	dma.strided [hbm:s26@s8], $0x1800, s6, $0x10   }
0x53: {  	_ =	swait.ge [sflag:s16], $0x1800  }
0x54: {  	[sflag:s16] =	ssyncset.done $0x0  }
0x55: {  	s31 =	rddreg [dreg:$0xe];
	[sflag:s16] =	ssyncadd.s32 $0xFFFFE800  }
0x56: {  	[hbm:s31@s8], [sflag:s17] =	dma.strided [spmem:s10@s7], $0x1800, s6, $0x10   }
0x57: {  	_ =	swait.ge [sflag:s15], $0x1800  }
0x58: {  	[sflag:s15] =	ssyncset.done $0x0  }
0x59: {  	s25 =	rddreg [dreg:$0xf];
	[sflag:s15] =	ssyncadd.s32 $0xFFFFE800  }
0x5a: {  	[spmem:s10@s7], [sflag:s13] =	dma.strided [hbm:s25@s8], $0x1800, s6, $0x10   }
0x5b: {  	_ =	swait.ge [sflag:s6], $0x1800  }
0x5c: {  	[sflag:s6] =	ssyncset.done $0x0  }
0x5d: {  	s19 =	sadd.s32 s2, s19;
	[sflag:s6] =	ssyncadd.s32 $0xFFFFE800  }
0x5e: {  	[hbm:s19@s8], [sflag:s14] =	dma.strided [spmem:s9@s7], $0x1800, s6, $0x10   }
0x5f: {  	s20 =	ssub.s32 $0x2, s20;
	_ =	swait.ge [sflag:s11], $0x1800  }
0x60: {  	s28 =	sadd.s32 s2, s22;
	s26 =	sshrl.u32 s21, $0x3;
	[sflag:s11] =	ssyncset.done $0x0  }
0x61: {  	s21 =	sadd.s32 s18, s26;
	s25 =	sshrl.u32 s20, $0x1;
	[sflag:s11] =	ssyncadd.s32 $0xFFFFE800  }
0x62: {  	[spmem:s9@s7], [sflag:s12] =	dma.strided [hbm:s21@s8], $0x1800, s6, $0x10   }
0x63: {  	s22 =	simm.s32 $0x18180;
	s20 =	ssub.s32 s20, s25;
	_ =	swait.ge [sflag:s16], $0x1800  }
0x64: {  	s24 =	simm.s32 $0x18100;
	s20 =	smax.u32 s20, $0x1;
	[sflag:s16] =	ssyncset.done $0x0  }
0x65: {  	s31 =	sshrl.u32 s23, $0x3;
	p0 =	sne.s32 s20, $0x1;
	[sflag:s16] =	ssyncadd.s32 $0xFFFFE800  }
0x66: {  	[hbm:s28@s8], [sflag:s17] =	dma.strided [spmem:s10@s7], $0x1800, s6, $0x10   }
.Ltmp0:
0x67: {  	s29 =	sadd.s32 s18, s31;
	_ =	swait.ge [sflag:s15], $0x1800;
	(pc) =	sbr.rel @!p0 .LBB2_2-.Ltmp0, $4  }
0x68: {  	s23 =	sadd.s32 s2, s31;
	s18 =	simm.s32 $0x80;
	[sflag:s15] =	ssyncset.done $0x0  }
0x69: {  	s25 =	sadd.s32 s2, s26;
	s26 =	simm.s32 $0x18080;
	[sflag:s15] =	ssyncadd.s32 $0xFFFFE800  }
0x6a: {  	[spmem:s10@s7], [sflag:s13] =	dma.strided [hbm:s29@s8], $0x1800, s6, $0x10   }
0x6b: {  	s30 =	sadd.s32 $0xFFFFFFFF, s20;
	s20 =	simm.s32 $0x18280;
	_ =	swait.ge [sflag:s6], $0x1800  }
.LBB2_1:
0x6c: {  	[sflag:s6] =	ssyncset.done $0x0  }
0x6d: {  	[sflag:s6] =	ssyncadd.s32 $0xFFFFE800  }
0x6e: {  	[hbm:s25@s8], [sflag:s14] =	dma.strided [spmem:s9@s7], $0x1800, s6, $0x10   }
0x6f: {  	_ =	swait.ge [sflag:s16], $0x1800  }
0x70: {  	[sflag:s16] =	ssyncset.done $0x0  }
0x71: {  	[sflag:s16] =	ssyncadd.s32 $0xFFFFE800  }
0x72: {  	[hbm:s23@s8], [sflag:s17] =	dma.strided [spmem:s10@s7], $0x1800, s6, $0x10   }
0x73: {  	_ =	swait.ge [sflag:s11], $0x1800  }
0x74: {  	[sflag:s11] =	ssyncset.done $0x0  }
0x75: {  	[sflag:s11] =	ssyncadd.s32 $0xFFFFE800  }
0x76: {  	_ =	swait.ge [sflag:s15], $0x1800  }
0x77: {  	[sflag:s15] =	ssyncset.done $0x0  }
0x78: {  	[sflag:s15] =	ssyncadd.s32 $0xFFFFE800  }
0x79: {  	[hbm4b:s2+s18] =	stream.indirect.scatter [tilespmem:s20], [sflag:$0x5], $0x1, s26, s18, $0xb8;
	[tilespmem:$0x18300] =	vst v63  }
0x7a: {  	_ =	swait.ge [sflag:s4], $0x80  }
0x7b: {  	[sflag:s4] =	ssyncset.done $0x0  }
0x7c: {  	[sflag:s4] =	ssyncadd.s32 $0xFFFFFF80  }
0x7d: {  	[hbm4b:s2+s18] =	stream.indirect.scatter [tilespmem:s20], [sflag:$0x5], $0x1, s24, s18, $0xb8;
	[tilespmem:$0x18300] =	vst v63  }
0x7e: {  	_ =	swait.ge [sflag:s4], $0x80  }
0x7f: {  	[sflag:s4] =	ssyncset.done $0x0  }
0x80: {  	[sflag:s4] =	ssyncadd.s32 $0xFFFFFF80  }
0x81: {  	[hbm4b:s2+s18] =	stream.indirect.scatter [tilespmem:s20], [sflag:$0x5], $0x1, s22, s18, $0xb8;
	[tilespmem:$0x18300] =	vst v63  }
0x82: {  	_ =	swait.ge [sflag:s4], $0x80  }
0x83: {  	[sflag:s4] =	ssyncset.done $0x0  }
0x84: {  	s31 =	rddreg [dreg:$0x5];
	[sflag:s4] =	ssyncadd.s32 $0xFFFFFF80  }
0x85: {  	[tilespmem:s5], [sflag:$0x5] =	stream.linear.gather [hbm4b:s31+s3], $0x80, $0x38;
	[tilespmem:$0x18300] =	vst v63  }
0x86: {  	_ =	swait.ge [sflag:s4], $0x80  }
0x87: {  	[sflag:s4] =	ssyncset.done $0x0  }
0x88: {  	[sflag:s4] =	ssyncadd.s32 $0xFFFFFF80  }
0x89: {  	v27 =	vld.idx.msk [tilespmem:v0+s5+$0x0], $0xffff;
	[tilespmem:$0x182E0] =	vst v1  }
0x8a: {  	[tilespmem:$0x182D0] =	vst v1  }
0x8b: {  	[tilespmem:$0x182C0] =	vst v1  }
0x8c: {  	[tilespmem:$0x182B0] =	vst v1  }
0x8d: {  	[tilespmem:$0x182A0] =	vst v1  }
0x8e: {  	[tilespmem:$0x18290] =	vst v1  }
0x8f: {  	[tilespmem:$0x18280] =	vst v1;
	v27 =	vadd.s32 v2, v27  }
0x90: {  	[tilespmem:$0x182F0] =	vst v1;
	v28 =	vadd.s32 v3, v27  }
0x91: {  	v30 =	vadd.s32 v4, v27;
	[tilespmem:$0x18080] =	vst v28  }
0x92: {  	v29 =	vadd.s32 v5, v27;
	[tilespmem:$0x181F0] =	vst v30  }
0x93: {  	v31 =	vadd.s32 v8, v27;
	v32 =	vadd.s32 v14, v27;
	v33 =	vadd.s32 v6, v27;
	[tilespmem:$0x18090] =	vst v29  }
0x94: {  	v58 =	vadd.s32 v21, v27;
	v34 =	vadd.s32 v13, v27;
	v35 =	vadd.s32 v7, v27;
	[tilespmem:$0x180C0] =	vst v33  }
0x95: {  	v36 =	vadd.s32 v26, v27;
	v37 =	vadd.s32 v24, v27;
	v38 =	vadd.s32 v22, v27;
	[tilespmem:$0x18130] =	vst v35  }
0x96: {  	v59 =	vadd.s32 v20, v27;
	v60 =	vadd.s32 v19, v27;
	v39 =	vadd.s32 v9, v27;
	[tilespmem:$0x180A0] =	vst v31  }
0x97: {  	v61 =	vadd.s32 v25, v27;
	v40 =	vadd.s32 v23, v27;
	v41 =	vadd.s32 v10, v27;
	[tilespmem:$0x18150] =	vst v39  }
0x98: {  	v62 =	vadd.s32 v18, v27;
	v42 =	vadd.s32 v17, v27;
	v43 =	vadd.s32 v11, v27;
	[tilespmem:$0x18180] =	vst v41  }
0x99: {  	v63 =	vadd.s32 v16, v27;
	v44 =	vadd.s32 v15, v27;
	v27 =	vadd.s32 v12, v27;
	[tilespmem:$0x181B0] =	vst v43  }
0x9a: {  	[tilespmem:$0x181E0] =	vst v27  }
0x9b: {  	[tilespmem:$0x180E0] =	vst v34  }
0x9c: {  	[tilespmem:$0x180B0] =	vst v32  }
0x9d: {  	[tilespmem:$0x181D0] =	vst v44  }
0x9e: {  	[tilespmem:$0x181C0] =	vst v63  }
0x9f: {  	[tilespmem:$0x181A0] =	vst v42  }
0xa0: {  	[tilespmem:$0x18190] =	vst v62  }
0xa1: {  	[tilespmem:$0x18140] =	vst v60  }
0xa2: {  	[tilespmem:$0x180F0] =	vst v59  }
0xa3: {  	[tilespmem:$0x180D0] =	vst v58  }
0xa4: {  	[tilespmem:$0x18120] =	vst v38  }
0xa5: {  	[tilespmem:$0x18170] =	vst v40  }
0xa6: {  	[tilespmem:$0x18110] =	vst v37  }
0xa7: {  	[tilespmem:$0x18160] =	vst v61  }
0xa8: {  	s31 =	rddreg [dreg:$0x6];
	[tilespmem:$0x18100] =	vst v36  }
0xa9: {  	[spmem:s9@s7], [sflag:s12] =	dma.strided [hbm:s31@s8], $0x1800, s6, $0x10   }
0xaa: {  	s31 =	rddreg [dreg:$0x7]  }
0xab: {  	[spmem:s10@s7], [sflag:s13] =	dma.strided [hbm:s31@s8], $0x1800, s6, $0x10   }
0xac: {  	_ =	swait.ge [sflag:s6], $0x1800  }
0xad: {  	[sflag:s6] =	ssyncset.done $0x0  }
0xae: {  	s31 =	rddreg [dreg:$0x8];
	[sflag:s6] =	ssyncadd.s32 $0xFFFFE800  }
0xaf: {  	[hbm:s31@s8], [sflag:s14] =	dma.strided [spmem:s9@s7], $0x1800, s6, $0x10   }
0xb0: {  	_ =	swait.ge [sflag:s11], $0x1800  }
0xb1: {  	[sflag:s11] =	ssyncset.done $0x0  }
0xb2: {  	s31 =	rddreg [dreg:$0x9];
	[sflag:s11] =	ssyncadd.s32 $0xFFFFE800  }
0xb3: {  	[spmem:s9@s7], [sflag:s12] =	dma.strided [hbm:s31@s8], $0x1800, s6, $0x10   }
0xb4: {  	_ =	swait.ge [sflag:s16], $0x1800  }
0xb5: {  	[sflag:s16] =	ssyncset.done $0x0  }
0xb6: {  	s31 =	rddreg [dreg:$0xa];
	[sflag:s16] =	ssyncadd.s32 $0xFFFFE800  }
0xb7: {  	[hbm:s31@s8], [sflag:s17] =	dma.strided [spmem:s10@s7], $0x1800, s6, $0x10   }
0xb8: {  	_ =	swait.ge [sflag:s15], $0x1800  }
0xb9: {  	[sflag:s15] =	ssyncset.done $0x0  }
0xba: {  	s31 =	rddreg [dreg:$0xb];
	[sflag:s15] =	ssyncadd.s32 $0xFFFFE800  }
0xbb: {  	[spmem:s10@s7], [sflag:s13] =	dma.strided [hbm:s31@s8], $0x1800, s6, $0x10   }
0xbc: {  	_ =	swait.ge [sflag:s6], $0x1800  }
0xbd: {  	[sflag:s6] =	ssyncset.done $0x0  }
0xbe: {  	s31 =	rddreg [dreg:$0xc];
	[sflag:s6] =	ssyncadd.s32 $0xFFFFE800  }
0xbf: {  	[hbm:s31@s8], [sflag:s14] =	dma.strided [spmem:s9@s7], $0x1800, s6, $0x10   }
0xc0: {  	_ =	swait.ge [sflag:s11], $0x1800  }
0xc1: {  	[sflag:s11] =	ssyncset.done $0x0  }
0xc2: {  	s31 =	rddreg [dreg:$0xd];
	[sflag:s11] =	ssyncadd.s32 $0xFFFFE800  }
0xc3: {  	[spmem:s9@s7], [sflag:s12] =	dma.strided [hbm:s31@s8], $0x1800, s6, $0x10   }
0xc4: {  	_ =	swait.ge [sflag:s16], $0x1800  }
0xc5: {  	[sflag:s16] =	ssyncset.done $0x0  }
0xc6: {  	s31 =	rddreg [dreg:$0xe];
	[sflag:s16] =	ssyncadd.s32 $0xFFFFE800  }
0xc7: {  	[hbm:s31@s8], [sflag:s17] =	dma.strided [spmem:s10@s7], $0x1800, s6, $0x10   }
0xc8: {  	_ =	swait.ge [sflag:s15], $0x1800  }
0xc9: {  	[sflag:s15] =	ssyncset.done $0x0  }
0xca: {  	s31 =	rddreg [dreg:$0xf];
	[sflag:s15] =	ssyncadd.s32 $0xFFFFE800  }
0xcb: {  	[spmem:s10@s7], [sflag:s13] =	dma.strided [hbm:s31@s8], $0x1800, s6, $0x10   }
0xcc: {  	_ =	swait.ge [sflag:s6], $0x1800  }
0xcd: {  	[sflag:s6] =	ssyncset.done $0x0  }
0xce: {  	[sflag:s6] =	ssyncadd.s32 $0xFFFFE800  }
0xcf: {  	[hbm:s19@s8], [sflag:s14] =	dma.strided [spmem:s9@s7], $0x1800, s6, $0x10   }
0xd0: {  	_ =	swait.ge [sflag:s11], $0x1800  }
0xd1: {  	[sflag:s11] =	ssyncset.done $0x0  }
0xd2: {  	[sflag:s11] =	ssyncadd.s32 $0xFFFFE800  }
0xd3: {  	[spmem:s9@s7], [sflag:s12] =	dma.strided [hbm:s21@s8], $0x1800, s6, $0x10   }
0xd4: {  	_ =	swait.ge [sflag:s16], $0x1800  }
0xd5: {  	[sflag:s16] =	ssyncset.done $0x0  }
0xd6: {  	p0 =	sne.s32 s30, $0x1;
	[sflag:s16] =	ssyncadd.s32 $0xFFFFE800  }
0xd7: {  	[hbm:s28@s8], [sflag:s17] =	dma.strided [spmem:s10@s7], $0x1800, s6, $0x10   }
.Ltmp1:
0xd8: {  	_ =	swait.ge [sflag:s15], $0x1800;
	(pc) =	sbr.rel @p0 .LBB2_1-.Ltmp1, $4  }
0xd9: {  	[sflag:s15] =	ssyncset.done $0x0  }
0xda: {  	[sflag:s15] =	ssyncadd.s32 $0xFFFFE800  }
0xdb: {  	[spmem:s10@s7], [sflag:s13] =	dma.strided [hbm:s29@s8], $0x1800, s6, $0x10   }
0xdc: {  	s30 =	sadd.s32 $0xFFFFFFFF, s30;
	_ =	swait.ge [sflag:s6], $0x1800  }
.LBB2_2:
0xdd: {  	[sflag:s6] =	ssyncset.done $0x0  }
0xde: {  	[sflag:s6] =	ssyncadd.s32 $0xFFFFE800  }
0xdf: {  	[hbm:s25@s8], [sflag:s14] =	dma.strided [spmem:s9@s7], $0x1800, s6, $0x10   }
0xe0: {  	_ =	swait.ge [sflag:s16], $0x1800  }
0xe1: {  	[sflag:s16] =	ssyncset.done $0x0  }
0xe2: {  	[sflag:s16] =	ssyncadd.s32 $0xFFFFE800  }
0xe3: {  	[hbm:s23@s8], [sflag:s17] =	dma.strided [spmem:s10@s7], $0x1800, s6, $0x10   }
0xe4: {  	_ =	swait.ge [sflag:s11], $0x1800  }
0xe5: {  	[sflag:s11] =	ssyncset.done $0x0  }
0xe6: {  	[sflag:s11] =	ssyncadd.s32 $0xFFFFE800  }
0xe7: {  	_ =	swait.ge [sflag:s15], $0x1800  }
0xe8: {  	[sflag:s15] =	ssyncset.done $0x0  }
0xe9: {  	[sflag:s15] =	ssyncadd.s32 $0xFFFFE800  }
0xea: {  	[hbm4b:s2+s18] =	stream.indirect.scatter [tilespmem:s20], [sflag:$0x5], $0x1, s26, s18, $0xb8;
	[tilespmem:$0x18300] =	vst v63  }
0xeb: {  	_ =	swait.ge [sflag:s4], $0x80  }
0xec: {  	[sflag:s4] =	ssyncset.done $0x0  }
0xed: {  	[sflag:s4] =	ssyncadd.s32 $0xFFFFFF80  }
0xee: {  	[hbm4b:s2+s18] =	stream.indirect.scatter [tilespmem:s20], [sflag:$0x5], $0x1, s24, s18, $0xb8;
	[tilespmem:$0x18300] =	vst v63  }
0xef: {  	_ =	swait.ge [sflag:s4], $0x80  }
0xf0: {  	[sflag:s4] =	ssyncset.done $0x0  }
0xf1: {  	[sflag:s4] =	ssyncadd.s32 $0xFFFFFF80  }
0xf2: {  	[hbm4b:s2+s18] =	stream.indirect.scatter [tilespmem:s20], [sflag:$0x5], $0x1, s22, s18, $0xb8;
	[tilespmem:$0x18300] =	vst v63  }
0xf3: {  	_ =	swait.ge [sflag:s4], $0x80  }
0xf4: {  	[sflag:s4] =	ssyncset.done $0x0  }
0xf5: {  	[sflag:s4] =	ssyncadd.s32 $0xFFFFFF80  }
0xf6: {  	_ =	sfence.sel $0x180000  }
0xf7: {  	[bflag:$0x0] =	sbarrier.arrive $0xFFFF  }
0xf8: {  	p0 =	sne.s32 s0, $0x0;
	_ =	strace $0x90000047  }
0xf9: {  	s0 =	sadd.s32 @!p0 $0x100000, s1;
	[bflag:$0x2] =	sbarrier.arrive $0xFFFF  }
0xfa: {  	[sflag:s0] =	ssyncadd.tile.s32 @!p0 $0x1;
	_ =	shalt  }
.Lfunc_end2:
_tile_overlayer_lowered:
.L_overlay_start_2:
0xfb: {  	(tag) =	ssettag $0x2  }
0xfc: {  	s0 =	rddreg [dreg:$0x0];
	s2 =	stileid.u32  }
0xfd: {  	s1 =	rddreg [dreg:$0x1];
	p0 =	sne.s32 s2, $0x0  }
0xfe: {  	s3 =	rddreg [dreg:$0x2];
	[bflag:$0x3] =	sbarrier.arrive $0xFFFF;
	s2 =	simm.s32 @!p0 $0x1C05  }
0xff: {  	[timem:s3], [sflag:s2] =	dma.local @!p0 [hbm:s0], s1  }
0x100: {  	s0 =	simm.s32 @!p0 $0x5  }
0x101: {  	_ =	swait.ge @!p0 [sflag:s0], s1  }
0x102: {  	s1 =	ssub.s32 @!p0 $0x0, s1;
	[sflag:s0] =	ssyncset.done @!p0 $0x0  }
0x103: {  	[sflag:s0] =	ssyncadd.s32 @!p0 s1  }
0x104: {  	[bflag:$0x3] =	sbarrier.arrive $0xFFFF  }
0x105: {  	_ =	shalt  }

// kernel: sparse-core-data-format-call.cloned.1.call-start
scs
called_computation_lowered:
.L_overlay_start_0:
0x0: {  	s2 =	sld [smem:$0x3FD9]  }
0x1: {  	s3 =	sld [smem:$0x3FFE];
	_ =	sdelay $0x1  }
0x2: {  	s1 =	srdreg.scid  }
0x3: {  	s0 =	sand.u32 $0x1, s1  }
0x4: {  	s18 =	sshll.u32 s0, $0xA;
	s2 =	sadd.s32 s3, s2  }
0x5: {  	s2 =	sadd.s32 s2, s18  }
0x6: {  	[smem:$0x3FC6] =	sst s2  }
0x7: {  	_ = 	snop  }
0x8: {  	s2 =	sld [smem:$0x3FD0];
	(tm) =	ssettm $0x1  }
0x9: {  	s19 =	sld [smem:$0x3FFB];
	_ =	sdelay $0x3  }
0xa: {  	_ =	strace s19  }
0xb: {  	s3 =	sld [smem:$0x3FFC];
	_ =	sdelay $0x3  }
0xc: {  	_ =	strace s3  }
0xd: {  	s3 =	sld [smem:$0x3FFD];
	_ =	sdelay $0x3  }
0xe: {  	_ =	strace s3  }
0xf: {  	_ =	strace $0x8FFFFFFF  }
0x10: {  	s20 =	sld [smem:$0x3FDB];
	_ =	sdelay $0x1  }
0x11: {  	s4 =	simm.s32 $_scs_section_size  }
0x12: {  	s5 =	simm.s32 $_size__tile_overlayer_lowered;
	s6 =	simm.s32 $_tile_overlayer_lowered  }
0x13: {  	s23 =	simm.s32 $0x1BFF;
	s22 =	sshll.u32 s6, $0x1;
	s3 =	sadd.s32 s4, s20  }
0x14: {  	s7 =	simm.s32 $0x0;
	s21 =	sshll.u32 s5, $0x1;
	s5 =	sadd.s32 s22, s3  }
0x15: {  	[timem:s7], [sflag:s23] =	dma.local [hbm:s5], s21  }
0x16: {  	_ =	swait.ge [sflag:s23], s21  }
0x17: {  	s4 =	ssub.s32 $0x0, s21;
	[sflag:s23] =	ssyncset.done $0x0  }
0x18: {  	[sflag:s23] =	ssyncadd.s32 s4;
	_ =	sdelay $0x1  }
0x19: {  	s24 =	simm.s32 $0x1B8B  }
0x1a: {  	_ =	swait.ge [sflag:s24], $0x1  }
0x1b: {  	[sflag:s24] =	ssyncset.done $0x0  }
0x1c: {  	s26 =	simm.s32 $0x1B8E;
	s25 =	sld [smem:$0x3FFE];
	[sflag:s24] =	ssyncadd.s32 $0xFFFFFFFF  }
0x1d: {  	s27 =	simm.s32 $execute0_lowered;
	[smem:$0x3FD2] =	sst s26  }
0x1e: {  	s5 =	sshll.u32 s27, $0x1;
	_ =	strace $0x80000049;
	[dreg:$0x1] =	wrdreg $0xFFFFFFFF  }
0x1f: {  	s28 =	simm.s32 $_size_execute0_lowered;
	s3 =	sadd.s32 s3, s5;
	[dreg:$0x0] =	wrdreg $0x0  }
0x20: {  	s5 =	sshll.u32 s28, $0x1;
	[dreg:$0x2] =	wrdreg s3  }
0x21: {  	[dreg:$0x3] =	wrdreg s5  }
0x22: {  	[dreg:$0x4] =	wrdreg $0xC0  }
0x23: {  	_ =	task [dreg:s7], $0x5FFFF  }
0x24: {  	[dreg:$0x1] =	wrdreg $0xFFFFFFFF  }
0x25: {  	[dreg:$0x0] =	wrdreg $0x60  }
0x26: {  	[dreg:$0x2] =	wrdreg s25  }
0x27: {  	[dreg:$0x3] =	wrdreg s2  }
0x28: {  	[dreg:$0x4] =	wrdreg $0x9  }
0x29: {  	_ =	task.clear_ibuf [dreg:s7], $0x5FFFF;
	_ =	strace $0x90000049  }
0x2a: {  	s29 =	simm.s32 $0x9;
	_ =	strace $0x8000004B  }
0x2b: {  	_ =	swait.ge [sflag:s29], $0x1  }
0x2c: {  	[sflag:s29] =	ssyncadd.s32 $0xFFFFFFFF  }
0x2d: {  	_ =	strace $0x9000004B  }
0x2e: {  	_ =	sfence  }
0x2f: {  	s30 =	sld [smem:$0x0];
	_ =	sdelay $0x2  }
0x30: {  	s31 =	sshll.u32 s1, $0xD;
	s1 =	sshrl.u32 s1, $0x2  }
0x31: {  	s3 =	sand.u32 $0x4000, s31;
	s1 =	sadd.s32 s1, s30  }
0x32: {  	s0 =	sor.u32 s3, s0;
	s1 =	sshll.u32 s1, $0x11  }
0x33: {  	s0 =	sor.u32 s1, s0  }
0x34: {  	s0 =	sadd.s32 $0x8F2B, s0  }
0x35: {  	[sflag:s0] =	ssyncadd.remote.s32 $0x1  }
0x36: {  	_ =	sfence.sel $0xFFFF  }
0x37: {  	[dreg:$0x0] =	wrdreg $0xFFFFFFFF;
	(pc) =	sbr.abs _section_cstart, $3  }
0x38: {  	[dreg:$0x1] =	wrdreg $0xFFFFFFFF  }
0x39: {  	_ =	task.clear_ibuf [dreg:s7], $0x2FFFF;
	_ =	strace $0x9FFFFFFF  }
0x3a: {  	(tm) =	ssettm $0x7FFFFFFF  }
0x3b: {  	_ =	shalt  }
tec
execute0_lowered:
.L_overlay_start_1:
0x0: {  	(tag) =	ssettag $0x1  }
0x1: {  	s1 =	rddreg [dreg:$0x0]  }
0x2: {  	s2 =	rddreg [dreg:$0x1]  }
0x3: {  	s0 =	rddreg [dreg:$0x2]  }
0x4: {  	s4 =	srdreg.scid;
	_ =	strace $0x8000004A;
	s6 =	simm.s32 $0x2  }
0x5: {  	s11 =	simm.s32 $0x0;
	p0 =	por $0x0, $0x0;
	s13 =	simm.s32 $0x0  }
.Ltmp0:
0x6: {  	s12 =	simm.s32 $0x0;
	s8 =	simm.s32 $0x0;
	(pc) =	sbr.rel .LBB1_1-.Ltmp0, $4  }
0x7: {  	s9 =	simm.s32 $0x0;
	s3 =	sadd.s32 $0x180800, s1;
	s4 =	sshll.u32 s4, $0x4  }
0x8: {  	s1 =	stileid.u32;
	s5 =	sand.u32 $0x10, s4;
	s4 =	simm.s32 $0x1  }
0x9: {  	s7 =	simm.s32 $0x0;
	s5 =	sor.u32 s1, s5;
	[sflag:s4] =	ssyncpa.u1 $0x0  }
0xa: {  	[sflag:s6] =	ssyncpa.u1 $0x0;
	s6 =	simm.s32 $0xC00;
	s10 =	smov.u32 s5  }
.LBB1_5:
0xb: {  	s14 =	sadd.s32 $0x1, s8  }
0xc: {  	s11 =	sadd.s32 $0x80, s9;
	s15 =	smov.u32 s9;
	p2 =	sgt.s32 s14, $0x1F  }
0xd: {  	s15 =	smov.u32 @p2 s11  }
0xe: {  	s17 =	smov.u32 s10;
	s11 =	sadd.s32 $0x20, s10;
	p3 =	sgt.s32 s15, $0x17F  }
0xf: {  	p1 =	slt.u32 s7, $0x2;
	s17 =	smov.u32 @p3 s11  }
0x10: {  	s7 =	sadd.s32 $0x1, s7;
	s14 =	simm.s32 @p2 $0x0;
	p2 =	sgt.s32 s17, $0x1F  }
0x11: {  	s17 =	smov.u32 @p2 s5;
	p2 =	sne.s32 s7, $0x62  }
.Ltmp1:
0x12: {  	s16 =	simm.s32 @!p1 $0x2;
	(pc) =	sbr.rel @!p2 .LBB1_6-.Ltmp1, $4  }
0x13: {  	s13 =	smov.u32 s9;
	_ =	swait.ge @!p1 [sflag:s16], $0x1000  }
0x14: {  	s12 =	smov.u32 s10;
	p0 =	por !p0, !p0;
	[sflag:s16] =	ssyncset.done @!p1 $0x0  }
0x15: {  	s15 =	simm.s32 @p3 $0x0;
	s11 =	smov.u32 s8;
	[sflag:s16] =	ssyncadd.s32 @!p1 $0xFFFFF000  }
0x16: {  	s8 =	smov.u32 s14;
	s9 =	smov.u32 s15;
	s10 =	smov.u32 s17  }
.LBB1_1:
0x17: {  	p1 =	sgt.u32 s7, $0x5F  }
0x18: {  	s15 =	smul.u32 @!p1 $0x30000, s10  }
0x19: {  	s14 =	sxor.u32 @!p1 $0xFFFFFFFF, s7;
	s16 =	sshll.u32 @!p1 s9, $0x9  }
0x1a: {  	s17 =	sshll.u32 @!p1 s8, $0x4;
	s14 =	sshll.u32 @!p1 s14, $0xC;
	s15 =	sadd.s32 @!p1 s3, s15  }
0x1b: {  	s17 =	sand.u32 @!p1 $0x1F0, s17;
	s14 =	sand.u32 @!p1 $0x1000, s14;
	s15 =	sadd.s32 @!p1 s16, s15  }
0x1c: {  	s16 =	simm.s32 @!p1 $0x20;
	s15 =	sadd.s32 @!p1 s17, s15;
	s17 =	simm.s32 @!p1 $0x1000  }
0x1d: {  	[tilespmem:s14], [sflag:$0x1] =	stream.strided.gather @!p1 [hbm4b:s15+s16], $0x1000, s17, s16, $0x38;
	[tilespmem:$0x4040] =	vst v63  }
0x1e: {  	p1 =	seq.s32 s7, $0x0  }
0x1f: {  	p2 =	seq.s32 @!p1 s7, $0x61  }
0x20: {  	p1 =	por p1, p2  }
.Ltmp2:
0x21: {  	_ = 	snop;
	(pc) =	sbr.rel @p1 .LBB1_5-.Ltmp2, $1  }
0x22: {  	_ =	sdelay $0x3  }
0x23: {  	s14 =	simm.s32 $0x1  }
0x24: {  	_ =	swait.ge [sflag:s4], $0x1000;
	s14 =	simm.s32 @!p0 $0x0  }
0x25: {  	[sflag:s4] =	ssyncset.done $0x0;
	s15 =	sshll.u32 s14, $0xC  }
0x26: {  	[sflag:s4] =	ssyncadd.s32 $0xFFFFF000;
	s18 =	sor.u32 $0x10, s15  }
0x27: {  	s14 =	smul.u32 $0x4080, s14;
	v1 =	vld [tilespmem:s18+$0x0]  }
0x28: {  	s30 =	sand.u32 $0x1, s7;
	v0 =	vld [tilespmem:s18+$0xFFFFFFF0]  }
0x29: {  	s15 =	smul.u32 $0x4080, s30;
	s14 =	sshrl.u32 s14, $0x2  }
0x2a: {  	s16 =	sor.u32 $0x2000, s14  }
0x2b: {  	s31 =	sshrl.u32 s15, $0x2;
	s15 =	sadd.s32 $0x0, s16  }
0x2c: {  	s17 =	simm.s32 $0x4;
	s18 =	sadd.s32 $0x20, s18;
	s14 =	sor.u32 $0x2000, s31;
	[tilespmem:s15+$0x810 ss:$0x81] =	vst.msk $0xffff, v1  }
.LBB1_3:
0x2d: {  	v1 =	vld [tilespmem:s18+$0x0];
	p1 =	sne.s32 s17, $0x1FC;
	[tilespmem:s15+$0x0 ss:$0x81] =	vst.msk $0xffff, v0;
	s15 =	smov.u32 s17;
	s17 =	sadd.s32 $0x4, s17  }
.Ltmp3:
0x2e: {  	v0 =	vld [tilespmem:s18+$0xFFFFFFF0];
	(pc) =	sbr.rel @p1 .LBB1_3-.Ltmp3, $4  }
0x2f: {  	_ = 	snop  }
0x30: {  	s15 =	sshra.s32 s15, $0x2  }
0x31: {  	s15 =	sadd.s32 s15, s16  }
0x32: {  	s18 =	sadd.s32 $0x20, s18;
	[tilespmem:s15+$0x810 ss:$0x81] =	vst.msk $0xffff, v1  }
0x33: {  	s16 =	sshll.u32 s13, $0x3  }
0x34: {  	s30 =	sand.u32 $0x7F, s13;
	s16 =	sand.u32 $0xFFFFFC00, s16  }
0x35: {  	s13 =	sor.u32 s30, s16;
	s16 =	smulhi.u32 $0xAAAAAAAB, s16  }
0x36: {  	s17 =	smulhi.u32 $0xAAAAAAAB, s13  }
0x37: {  	s12 =	smul.u32 $0xC000, s12  }
0x38: {  	s11 =	smul.u32 $0x600, s11;
	s16 =	sshrl.u32 s16, $0x8;
	s17 =	sshrl.u32 s17, $0x8  }
0x39: {  	s16 =	sand.u32 $0x1F, s16;
	s17 =	smul.u32 $0x180, s17  }
0x3a: {  	s16 =	smul.u32 $0x30, s16  }
.Ltmp4:
0x3b: {  	s12 =	sadd.s32 s2, s12;
	s13 =	ssub.s32 s13, s17;
	(pc) =	sbr.rel .LBB1_5-.Ltmp4, $4  }
0x3c: {  	s11 =	sadd.s32 s11, s12;
	s31 =	sand.u32 $0x7, s13  }
0x3d: {  	s11 =	sadd.s32 s16, s11;
	s13 =	sshrl.u32 s13, $0x3;
	s12 =	sshll.u32 s31, $0x12  }
0x3e: {  	[tilespmem:s15+$0x0 ss:$0x81] =	vst.msk $0xffff, v0;
	s11 =	sadd.s32 s13, s11;
	s12 =	sor.u32 $0x400, s12  }
0x3f: {  	[hbm4b:s11+s12] =	stream.strided.scatter [tilespmem:s14], [sflag:$0x2], $0x1000, s6, s12, $0x20;
	[tilespmem:$0x4040] =	vst v63  }
.LBB1_6:
0x40: {  	_ =	sfence.sel $0x180000  }
0x41: {  	s2 =	simm.s32 $0x1;
	[bflag:$0x0] =	sbarrier.arrive $0xFFFF  }
0x42: {  	s31 =	simm.s32 $0x2;
	[sflag:s2] =	ssyncpa.u1 $0x1  }
0x43: {  	[sflag:s31] =	ssyncpa.u1 $0x1  }
0x44: {  	p0 =	sne.s32 s1, $0x0;
	_ =	strace $0x9000004A  }
0x45: {  	s0 =	sadd.s32 @!p0 $0x100000, s0;
	[bflag:$0x2] =	sbarrier.arrive $0xFFFF  }
0x46: {  	[sflag:s0] =	ssyncadd.tile.s32 @!p0 $0x1;
	_ =	shalt  }
.Lfunc_end1:
_tile_overlayer_lowered:
.L_overlay_start_2:
0x47: {  	(tag) =	ssettag $0x2  }
0x48: {  	s0 =	rddreg [dreg:$0x0];
	s2 =	stileid.u32  }
0x49: {  	s1 =	rddreg [dreg:$0x1];
	p0 =	sne.s32 s2, $0x0  }
0x4a: {  	s3 =	rddreg [dreg:$0x2];
	[bflag:$0x3] =	sbarrier.arrive $0xFFFF;
	s2 =	simm.s32 @!p0 $0x1C01  }
0x4b: {  	[timem:s3], [sflag:s2] =	dma.local @!p0 [hbm:s0], s1  }
0x4c: {  	s0 =	simm.s32 @!p0 $0x1  }
0x4d: {  	_ =	swait.ge @!p0 [sflag:s0], s1  }
0x4e: {  	s1 =	ssub.s32 @!p0 $0x0, s1;
	[sflag:s0] =	ssyncset.done @!p0 $0x0  }
0x4f: {  	[sflag:s0] =	ssyncadd.s32 @!p0 s1  }
0x50: {  	[bflag:$0x3] =	sbarrier.arrive $0xFFFF  }
0x51: {  	_ =	shalt  }

</sc_bundles>
